<compile_context>
chip_gen: v7x
topology: tpu7x:2x2x1
jax: 0.10.2.dev20260603
libtpu: 0.0.44.dev20260713+nightly
codegen_flags: <defaults>
</compile_context>

<pallas_src>
import functools

import jax
import jax.numpy as jnp
from jax import lax
from jax.experimental import pallas as pl
from jax.experimental.pallas import tpu as pltpu
from jax.experimental.pallas import tpu_sc as plsc


def _build_gather(B, S, L, Dp, Dc, Dg, nc, nw):
    bw = B // nw
    CH, NBUF = 2, 3
    n_ch = bw // CH
    mesh = plsc.VectorSubcoreMesh(core_axis_name="core", subcore_axis_name="sub")

    @functools.partial(
        pl.kernel, mesh=mesh,
        out_type=[
            jax.ShapeDtypeStruct((B, Dp, L), jnp.float32),
            jax.ShapeDtypeStruct((B, Dc, L), jnp.float32),
            jax.ShapeDtypeStruct((B, Dg, L), jnp.float32),
        ],
        scratch_types=[
            pltpu.VMEM((bw,), jnp.int32),
            pltpu.VMEM((n_ch, CH), jnp.int32),
            pltpu.VMEM((bw, Dp, L), jnp.float32),
            pltpu.VMEM((NBUF, CH, Dc, L), jnp.float32),
            pltpu.VMEM((bw, Dg, L), jnp.float32),
            pltpu.SemaphoreType.DMA,
            pltpu.SemaphoreType.DMA,
            pltpu.SemaphoreType.DMA,
            pltpu.SemaphoreType.DMA,
        ],
    )
    def run(idx_hbm, idx2_hbm, p_hbm, c_hbm, g_hbm, po_hbm, co_hbm, go_hbm,
            idx_v, idx2_v, p_v, c_v, g_v, gsem, wsem, psem, qsem):
        wid = lax.axis_index("sub") * nc + lax.axis_index("core")
        base = wid * bw
        i1 = pltpu.async_copy(idx_hbm.at[pl.ds(base, bw)], idx_v, psem)
        i2 = pltpu.async_copy(
            idx2_hbm.at[pl.ds(pl.multiple_of(base // CH, 8), n_ch)], idx2_v,
            qsem)
        i1.wait()
        i2.wait()

        gathers = [None] * n_ch
        writes = [None] * n_ch
        p_in = g_in = None
        for i in range(n_ch):
            b = i % NBUF
            if i >= NBUF:
                writes[i - NBUF].wait()
            gathers[i] = pltpu.async_copy(
                c_hbm.at[idx2_v.at[i]], c_v.at[b], gsem)
            if i == NBUF - 1:
                p_in = pltpu.async_copy(p_hbm.at[idx_v], p_v, psem)
                g_in = pltpu.async_copy(g_hbm.at[idx_v], g_v, qsem)
            if i >= 1:
                gathers[i - 1].wait()
                writes[i - 1] = pltpu.async_copy(
                    c_v.at[(i - 1) % NBUF],
                    co_hbm.at[pl.ds(base + (i - 1) * CH, CH)], wsem)
        gathers[n_ch - 1].wait()
        writes[n_ch - 1] = pltpu.async_copy(
            c_v.at[(n_ch - 1) % NBUF],
            co_hbm.at[pl.ds(base + (n_ch - 1) * CH, CH)], wsem)

        p_in.wait()
        pltpu.sync_copy(p_v, po_hbm.at[pl.ds(base, bw)])
        g_in.wait()
        pltpu.sync_copy(g_v, go_hbm.at[pl.ds(base, bw)])

        for i in range(n_ch - NBUF, n_ch):
            writes[i].wait()

    return run, CH


def kernel(idx, p, c, g):
    S, L, Dc = c.shape
    Dp = p.shape[2]
    Dg = g.shape[2]
    B = idx.shape[0]

    info = plsc.get_sparse_core_info()
    nc = info.num_cores
    nw = nc * info.num_subcores

    run, CH = _build_gather(B, S, L, Dp, Dc, Dg, nc, nw)

    pt = jnp.transpose(p, (0, 2, 1))
    ct = jnp.transpose(c, (0, 2, 1))
    gt = jnp.transpose(g, (0, 2, 1))
    idx2 = idx.reshape(B // CH, CH)
    pot, cot, got = run(idx, idx2, pt, ct, gt)
    return (jnp.transpose(pot, (0, 2, 1)),
            jnp.transpose(cot, (0, 2, 1)),
            jnp.transpose(got, (0, 2, 1)))

# --- scband reference (transcript-rebuilt; emitter-appended) ---
"""Pipeline reference for scband-auto-decoder-53128745451908 (READ-ONLY COPY).

The authoritative reference and input builder live on the scoring server;
editing this copy changes nothing except your own understanding.
"""

import jax, jax.numpy as jnp
import numpy as np
import math

NUM_SAMPLES = 4096
NUM_LATENTS = 256
LATENT_DIM = 64
BATCH = 1024

def setup_inputs(seed: int = 0) -> dict:
    key = jax.random.key(seed)
    side = int(math.sqrt(NUM_LATENTS))
    lims = 1.0 - 1.0 / math.sqrt(NUM_LATENTS)
    lin = jnp.linspace(-lims, lims, side)
    poses = jnp.stack(jnp.meshgrid(lin, lin, indexing='ij'), axis=-1)
    poses = jnp.reshape(poses, (1, -1, 2)).astype(jnp.float32)
    p = jnp.repeat(poses, NUM_SAMPLES, axis=0)
    c = jnp.ones((NUM_SAMPLES, NUM_LATENTS, LATENT_DIM), dtype=jnp.float32)
    g = jnp.ones((NUM_SAMPLES, NUM_LATENTS, 1), dtype=jnp.float32) * (2.0 / math.sqrt(NUM_LATENTS))
    idx = jax.random.randint(key, (BATCH,), 0, NUM_SAMPLES, dtype=jnp.int32)
    return {"idx": idx, "p": p, "c": c, "g": g}

def reference(idx, p, c, g):
    # Faithful translation: auto-decoder latent lookup (roto=False branch)
    p_o = jnp.take(p, idx, axis=0)
    c_o = jnp.take(c, idx, axis=0)
    g_o = jnp.take(g, idx, axis=0)
    return (p_o, c_o, g_o)

if __name__ == "__main__":
    import jax
    _d = setup_inputs()
    print(jax.jit(kernel)(*tuple(_d.values())))

</pallas_src>

<mosaic_0001>
#map = affine_map<(d0, d1) -> (0)>
#map1 = affine_map<(d0, d1) -> (0, 0)>
#map2 = affine_map<(d0, d1) -> (0, 0, 0)>
module attributes {stable_mosaic.version = 14 : i64} {
  func.func @run(%arg0: i32, %arg1: i32, %arg2: memref<1024xi32, #tpu.memory_space<hbm>>, %arg3: memref<512x2xi32, #tpu.memory_space<hbm>>, %arg4: memref<4096x2x256xf32, #tpu.memory_space<hbm>>, %arg5: memref<4096x64x256xf32, #tpu.memory_space<hbm>>, %arg6: memref<4096x1x256xf32, #tpu.memory_space<hbm>>, %arg7: memref<1024x2x256xf32, #tpu.memory_space<hbm>>, %arg8: memref<1024x64x256xf32, #tpu.memory_space<hbm>>, %arg9: memref<1024x1x256xf32, #tpu.memory_space<hbm>>, %arg10: memref<32xi32, #tpu.memory_space<vmem>>, %arg11: memref<16x2xi32, #tpu.memory_space<vmem>>, %arg12: memref<32x2x256xf32, #tpu.memory_space<vmem>>, %arg13: memref<3x2x64x256xf32, #tpu.memory_space<vmem>>, %arg14: memref<32x1x256xf32, #tpu.memory_space<vmem>>, %arg15: memref<!tpu.dma_semaphore, #tpu.memory_space<semaphore_mem>>, %arg16: memref<!tpu.dma_semaphore, #tpu.memory_space<semaphore_mem>>, %arg17: memref<!tpu.dma_semaphore, #tpu.memory_space<semaphore_mem>>, %arg18: memref<!tpu.dma_semaphore, #tpu.memory_space<semaphore_mem>>) attributes {dimension_semantics = [#tpu.dimension_semantics<core_parallel>, #tpu.dimension_semantics<subcore_parallel>], iteration_bounds = array<i64: 2, 16>, scalar_prefetch = 0 : i64, scratch_operands = 9 : i64, tpu.core_type = #tpu.core_type<sc_vector_subcore>, window_params = [{transform_indices = #map}, {transform_indices = #map1}, {transform_indices = #map2}, {transform_indices = #map2}, {transform_indices = #map2}, {transform_indices = #map2}, {transform_indices = #map2}, {transform_indices = #map2}]} {
    %mul3A = arith.constant 2 : i32
    %mul3A_0 = arith.muli %arg1, %mul3A : i32
    %add3A = arith.addi %mul3A_0, %arg0 : i32
    %mul3A_1 = arith.constant 32 : i32
    %mul3A_2 = arith.muli %add3A, %mul3A_1 : i32
    %dma_start3A = tpu.memref_slice %arg2[%mul3A_2] : memref<1024xi32, #tpu.memory_space<hbm>> -> memref<32xi32, #tpu.memory_space<hbm>>
    %dma_start3A_3 = tpu.memref_slice %arg2[%mul3A_2] : memref<1024xi32, #tpu.memory_space<hbm>> -> memref<32xi32, #tpu.memory_space<hbm>>
    tpu.enqueue_dma source(%dma_start3A_3 : memref<32xi32, #tpu.memory_space<hbm>>) target(%arg10 : memref<32xi32, #tpu.memory_space<vmem>>) target_semaphore(%arg17 : memref<!tpu.dma_semaphore, #tpu.memory_space<semaphore_mem>>)
    %jit3A = arith.constant 2 : i32
    %div3A = arith.divsi %mul3A_2, %jit3A : i32
    %sign3A = arith.constant 0 : i32
    %sign3A_4 = arith.cmpi sgt, %mul3A_2, %sign3A : i32
    %sign3A_5 = arith.extui %sign3A_4 : i1 to i32
    %sign3A_6 = arith.constant 0 : i32
    %sign3A_7 = arith.cmpi slt, %mul3A_2, %sign3A_6 : i32
    %sign3A_8 = arith.extui %sign3A_7 : i1 to i32
    %sign3A_9 = arith.subi %sign3A_5, %sign3A_8 : i32
    %sign3A_10 = arith.constant 0 : i32
    %sign3A_11 = arith.cmpi sgt, %jit3A, %sign3A_10 : i32
    %sign3A_12 = arith.extui %sign3A_11 : i1 to i32
    %sign3A_13 = arith.constant 0 : i32
    %sign3A_14 = arith.cmpi slt, %jit3A, %sign3A_13 : i32
    %sign3A_15 = arith.extui %sign3A_14 : i1 to i32
    %sign3A_16 = arith.subi %sign3A_12, %sign3A_15 : i32
    %ne3A = arith.cmpi ne, %sign3A_9, %sign3A_16 : i32
    %rem3A = arith.remsi %mul3A_2, %jit3A : i32
    %ne3A_17 = arith.constant 0 : i32
    %ne3A_18 = arith.cmpi ne, %rem3A, %ne3A_17 : i32
    %and3A = arith.andi %ne3A, %ne3A_18 : i1
    %sub3A = arith.constant 1 : i32
    %sub3A_19 = arith.subi %div3A, %sub3A : i32
    %select_n3A = arith.select %and3A, %sub3A_19, %div3A : i32
    %multiple_of3A = tpu.assume_multiple %select_n3A, 8 : i32
    %dma_start3A_20 = arith.constant 0 : i32
    %dma_start3A_21 = tpu.memref_slice %arg3[%multiple_of3A, %dma_start3A_20] : memref<512x2xi32, #tpu.memory_space<hbm>> -> memref<16x2xi32, #tpu.memory_space<hbm>>
    %dma_start3A_22 = arith.constant 0 : i32
    %dma_start3A_23 = tpu.memref_slice %arg3[%multiple_of3A, %dma_start3A_22] : memref<512x2xi32, #tpu.memory_space<hbm>> -> memref<16x2xi32, #tpu.memory_space<hbm>>
    tpu.enqueue_dma source(%dma_start3A_23 : memref<16x2xi32, #tpu.memory_space<hbm>>) target(%arg11 : memref<16x2xi32, #tpu.memory_space<vmem>>) target_semaphore(%arg18 : memref<!tpu.dma_semaphore, #tpu.memory_space<semaphore_mem>>)
    %dma_wait3A = tpu.memref_slice %arg2[%mul3A_2] : memref<1024xi32, #tpu.memory_space<hbm>> -> memref<32xi32, #tpu.memory_space<hbm>>
    %dma_wait3A_24 = tpu.memref_slice %arg2[%mul3A_2] : memref<1024xi32, #tpu.memory_space<hbm>> -> memref<32xi32, #tpu.memory_space<hbm>>
    tpu.wait_dma2 semaphore(%arg17 : memref<!tpu.dma_semaphore, #tpu.memory_space<semaphore_mem>>) src(%dma_wait3A_24 : memref<32xi32, #tpu.memory_space<hbm>>) dst(%arg10 : memref<32xi32, #tpu.memory_space<vmem>>)
    %dma_wait3A_25 = arith.constant 0 : i32
    %dma_wait3A_26 = tpu.memref_slice %arg3[%multiple_of3A, %dma_wait3A_25] : memref<512x2xi32, #tpu.memory_space<hbm>> -> memref<16x2xi32, #tpu.memory_space<hbm>>
    %dma_wait3A_27 = arith.constant 0 : i32
    %dma_wait3A_28 = tpu.memref_slice %arg3[%multiple_of3A, %dma_wait3A_27] : memref<512x2xi32, #tpu.memory_space<hbm>> -> memref<16x2xi32, #tpu.memory_space<hbm>>
    tpu.wait_dma2 semaphore(%arg18 : memref<!tpu.dma_semaphore, #tpu.memory_space<semaphore_mem>>) src(%dma_wait3A_28 : memref<16x2xi32, #tpu.memory_space<hbm>>) dst(%arg11 : memref<16x2xi32, #tpu.memory_space<vmem>>)
    %dma_start3A_29 = arith.constant 0 : i32
    %dma_start3A_30 = arith.constant 0 : i32
    %dma_start3A_31 = arith.constant 0 : i32
    %dma_start3A_32 = arith.constant 0 : i32
    %dma_start3A_33 = arith.constant 0 : i32
    %dma_start3A_34 = tpu.memref_slice %arg13[%dma_start3A_30, %dma_start3A_31, %dma_start3A_32, %dma_start3A_33] : memref<3x2x64x256xf32, #tpu.memory_space<vmem>> -> memref<1x2x64x256xf32, #tpu.memory_space<vmem>>
    %dma_start3A_35 = tpu.memref_squeeze %dma_start3A_34 : memref<1x2x64x256xf32, #tpu.memory_space<vmem>> -> memref<2x64x256xf32, #tpu.memory_space<vmem>>
    %dma_start3A_36 = arith.constant 0 : i32
    %dma_start3A_37 = tpu.memref_slice %arg11[%dma_start3A_29, %dma_start3A_36] : memref<16x2xi32, #tpu.memory_space<vmem>> -> memref<1x2xi32, #tpu.memory_space<vmem>>
    %dma_start3A_38 = tpu.memref_squeeze %dma_start3A_37 : memref<1x2xi32, #tpu.memory_space<vmem>> -> memref<2xi32, #tpu.memory_space<vmem>>
    %dma_start3A_39 = arith.constant 0 : i32
    %dma_start3A_40 = arith.constant 0 : i32
    %dma_start3A_41 = arith.constant 0 : i32
    %dma_start3A_42 = tpu.memref_slice %arg5[%dma_start3A_39, %dma_start3A_40, %dma_start3A_41] : memref<4096x64x256xf32, #tpu.memory_space<hbm>> -> memref<4096x64x256xf32, #tpu.memory_space<hbm>>
    tpu.enqueue_indirect_dma source(%dma_start3A_42 : memref<4096x64x256xf32, #tpu.memory_space<hbm>>) target(%dma_start3A_35 : memref<2x64x256xf32, #tpu.memory_space<vmem>>) offsets(%dma_start3A_38 : memref<2xi32, #tpu.memory_space<vmem>>) semaphore(%arg15 : memref<!tpu.dma_semaphore, #tpu.memory_space<semaphore_mem>>)
    %dma_start3A_43 = arith.constant 1 : i32
    %dma_start3A_44 = arith.constant 1 : i32
    %dma_start3A_45 = arith.constant 0 : i32
    %dma_start3A_46 = arith.constant 0 : i32
    %dma_start3A_47 = arith.constant 0 : i32
    %dma_start3A_48 = tpu.memref_slice %arg13[%dma_start3A_44, %dma_start3A_45, %dma_start3A_46, %dma_start3A_47] : memref<3x2x64x256xf32, #tpu.memory_space<vmem>> -> memref<1x2x64x256xf32, #tpu.memory_space<vmem>>
    %dma_start3A_49 = tpu.memref_squeeze %dma_start3A_48 : memref<1x2x64x256xf32, #tpu.memory_space<vmem>> -> memref<2x64x256xf32, #tpu.memory_space<vmem>>
    %dma_start3A_50 = arith.constant 0 : i32
    %dma_start3A_51 = tpu.memref_slice %arg11[%dma_start3A_43, %dma_start3A_50] : memref<16x2xi32, #tpu.memory_space<vmem>> -> memref<1x2xi32, #tpu.memory_space<vmem>>
    %dma_start3A_52 = tpu.memref_squeeze %dma_start3A_51 : memref<1x2xi32, #tpu.memory_space<vmem>> -> memref<2xi32, #tpu.memory_space<vmem>>
    %dma_start3A_53 = arith.constant 0 : i32
    %dma_start3A_54 = arith.constant 0 : i32
    %dma_start3A_55 = arith.constant 0 : i32
    %dma_start3A_56 = tpu.memref_slice %arg5[%dma_start3A_53, %dma_start3A_54, %dma_start3A_55] : memref<4096x64x256xf32, #tpu.memory_space<hbm>> -> memref<4096x64x256xf32, #tpu.memory_space<hbm>>
    tpu.enqueue_indirect_dma source(%dma_start3A_56 : memref<4096x64x256xf32, #tpu.memory_space<hbm>>) target(%dma_start3A_49 : memref<2x64x256xf32, #tpu.memory_space<vmem>>) offsets(%dma_start3A_52 : memref<2xi32, #tpu.memory_space<vmem>>) semaphore(%arg15 : memref<!tpu.dma_semaphore, #tpu.memory_space<semaphore_mem>>)
    %dma_wait3A_57 = arith.constant 0 : i32
    %dma_wait3A_58 = arith.constant 0 : i32
    %dma_wait3A_59 = arith.constant 0 : i32
    %dma_wait3A_60 = arith.constant 0 : i32
    %dma_wait3A_61 = arith.constant 0 : i32
    %dma_wait3A_62 = tpu.memref_slice %arg13[%dma_wait3A_58, %dma_wait3A_59, %dma_wait3A_60, %dma_wait3A_61] : memref<3x2x64x256xf32, #tpu.memory_space<vmem>> -> memref<1x2x64x256xf32, #tpu.memory_space<vmem>>
    %dma_wait3A_63 = tpu.memref_squeeze %dma_wait3A_62 : memref<1x2x64x256xf32, #tpu.memory_space<vmem>> -> memref<2x64x256xf32, #tpu.memory_space<vmem>>
    %dma_wait3A_64 = arith.constant 0 : i32
    %dma_wait3A_65 = tpu.memref_slice %arg11[%dma_wait3A_57, %dma_wait3A_64] : memref<16x2xi32, #tpu.memory_space<vmem>> -> memref<1x2xi32, #tpu.memory_space<vmem>>
    %dma_wait3A_66 = tpu.memref_squeeze %dma_wait3A_65 : memref<1x2xi32, #tpu.memory_space<vmem>> -> memref<2xi32, #tpu.memory_space<vmem>>
    %dma_wait3A_67 = arith.constant 0 : i32
    %dma_wait3A_68 = arith.constant 0 : i32
    %dma_wait3A_69 = arith.constant 0 : i32
    %dma_wait3A_70 = tpu.memref_slice %arg5[%dma_wait3A_67, %dma_wait3A_68, %dma_wait3A_69] : memref<4096x64x256xf32, #tpu.memory_space<hbm>> -> memref<4096x64x256xf32, #tpu.memory_space<hbm>>
    tpu.wait_indirect_dma semaphore(%arg15 : memref<!tpu.dma_semaphore, #tpu.memory_space<semaphore_mem>>) src(%dma_wait3A_70 : memref<4096x64x256xf32, #tpu.memory_space<hbm>>) dst(%dma_wait3A_63 : memref<2x64x256xf32, #tpu.memory_space<vmem>>)
    %add3A_71 = arith.constant 0 : i32
    %add3A_72 = arith.addi %mul3A_2, %add3A_71 : i32
    %dma_start3A_73 = arith.constant 0 : i32
    %dma_start3A_74 = arith.constant 0 : i32
    %dma_start3A_75 = arith.constant 0 : i32
    %dma_start3A_76 = arith.constant 0 : i32
    %dma_start3A_77 = tpu.memref_slice %arg13[%dma_start3A_73, %dma_start3A_74, %dma_start3A_75, %dma_start3A_76] : memref<3x2x64x256xf32, #tpu.memory_space<vmem>> -> memref<1x2x64x256xf32, #tpu.memory_space<vmem>>
    %dma_start3A_78 = tpu.memref_squeeze %dma_start3A_77 : memref<1x2x64x256xf32, #tpu.memory_space<vmem>> -> memref<2x64x256xf32, #tpu.memory_space<vmem>>
    %dma_start3A_79 = arith.constant 0 : i32
    %dma_start3A_80 = arith.constant 0 : i32
    %dma_start3A_81 = tpu.memref_slice %arg8[%add3A_72, %dma_start3A_79, %dma_start3A_80] : memref<1024x64x256xf32, #tpu.memory_space<hbm>> -> memref<2x64x256xf32, #tpu.memory_space<hbm>>
    %dma_start3A_82 = arith.constant 0 : i32
    %dma_start3A_83 = arith.constant 0 : i32
    %dma_start3A_84 = tpu.memref_slice %arg8[%add3A_72, %dma_start3A_82, %dma_start3A_83] : memref<1024x64x256xf32, #tpu.memory_space<hbm>> -> memref<2x64x256xf32, #tpu.memory_space<hbm>>
    %dma_start3A_85 = arith.constant 0 : i32
    %dma_start3A_86 = arith.constant 0 : i32
    %dma_start3A_87 = arith.constant 0 : i32
    %dma_start3A_88 = tpu.memref_slice %arg13[%dma_start3A_73, %dma_start3A_85, %dma_start3A_86, %dma_start3A_87] : memref<3x2x64x256xf32, #tpu.memory_space<vmem>> -> memref<1x2x64x256xf32, #tpu.memory_space<vmem>>
    %dma_start3A_89 = tpu.memref_squeeze %dma_start3A_88 : memref<1x2x64x256xf32, #tpu.memory_space<vmem>> -> memref<2x64x256xf32, #tpu.memory_space<vmem>>
    tpu.enqueue_dma source(%dma_start3A_89 : memref<2x64x256xf32, #tpu.memory_space<vmem>>) target(%dma_start3A_84 : memref<2x64x256xf32, #tpu.memory_space<hbm>>) target_semaphore(%arg16 : memref<!tpu.dma_semaphore, #tpu.memory_space<semaphore_mem>>)
    %dma_start3A_90 = arith.constant 2 : i32
    %dma_start3A_91 = arith.constant 2 : i32
    %dma_start3A_92 = arith.constant 0 : i32
    %dma_start3A_93 = arith.constant 0 : i32
    %dma_start3A_94 = arith.constant 0 : i32
    %dma_start3A_95 = tpu.memref_slice %arg13[%dma_start3A_91, %dma_start3A_92, %dma_start3A_93, %dma_start3A_94] : memref<3x2x64x256xf32, #tpu.memory_space<vmem>> -> memref<1x2x64x256xf32, #tpu.memory_space<vmem>>
    %dma_start3A_96 = tpu.memref_squeeze %dma_start3A_95 : memref<1x2x64x256xf32, #tpu.memory_space<vmem>> -> memref<2x64x256xf32, #tpu.memory_space<vmem>>
    %dma_start3A_97 = arith.constant 0 : i32
    %dma_start3A_98 = tpu.memref_slice %arg11[%dma_start3A_90, %dma_start3A_97] : memref<16x2xi32, #tpu.memory_space<vmem>> -> memref<1x2xi32, #tpu.memory_space<vmem>>
    %dma_start3A_99 = tpu.memref_squeeze %dma_start3A_98 : memref<1x2xi32, #tpu.memory_space<vmem>> -> memref<2xi32, #tpu.memory_space<vmem>>
    %dma_start3A_100 = arith.constant 0 : i32
    %dma_start3A_101 = arith.constant 0 : i32
    %dma_start3A_102 = arith.constant 0 : i32
    %dma_start3A_103 = tpu.memref_slice %arg5[%dma_start3A_100, %dma_start3A_101, %dma_start3A_102] : memref<4096x64x256xf32, #tpu.memory_space<hbm>> -> memref<4096x64x256xf32, #tpu.memory_space<hbm>>
    tpu.enqueue_indirect_dma source(%dma_start3A_103 : memref<4096x64x256xf32, #tpu.memory_space<hbm>>) target(%dma_start3A_96 : memref<2x64x256xf32, #tpu.memory_space<vmem>>) offsets(%dma_start3A_99 : memref<2xi32, #tpu.memory_space<vmem>>) semaphore(%arg15 : memref<!tpu.dma_semaphore, #tpu.memory_space<semaphore_mem>>)
    %dma_start3A_104 = arith.constant 0 : i32
    %dma_start3A_105 = arith.constant 0 : i32
    %dma_start3A_106 = arith.constant 0 : i32
    %dma_start3A_107 = tpu.memref_slice %arg4[%dma_start3A_104, %dma_start3A_105, %dma_start3A_106] : memref<4096x2x256xf32, #tpu.memory_space<hbm>> -> memref<4096x2x256xf32, #tpu.memory_space<hbm>>
    tpu.enqueue_indirect_dma source(%dma_start3A_107 : memref<4096x2x256xf32, #tpu.memory_space<hbm>>) target(%arg12 : memref<32x2x256xf32, #tpu.memory_space<vmem>>) offsets(%arg10 : memref<32xi32, #tpu.memory_space<vmem>>) semaphore(%arg17 : memref<!tpu.dma_semaphore, #tpu.memory_space<semaphore_mem>>)
    %dma_start3A_108 = arith.constant 0 : i32
    %dma_start3A_109 = arith.constant 0 : i32
    %dma_start3A_110 = arith.constant 0 : i32
    %dma_start3A_111 = tpu.memref_slice %arg6[%dma_start3A_108, %dma_start3A_109, %dma_start3A_110] : memref<4096x1x256xf32, #tpu.memory_space<hbm>> -> memref<4096x1x256xf32, #tpu.memory_space<hbm>>
    tpu.enqueue_indirect_dma source(%dma_start3A_111 : memref<4096x1x256xf32, #tpu.memory_space<hbm>>) target(%arg14 : memref<32x1x256xf32, #tpu.memory_space<vmem>>) offsets(%arg10 : memref<32xi32, #tpu.memory_space<vmem>>) semaphore(%arg18 : memref<!tpu.dma_semaphore, #tpu.memory_space<semaphore_mem>>)
    %dma_wait3A_112 = arith.constant 1 : i32
    %dma_wait3A_113 = arith.constant 1 : i32
    %dma_wait3A_114 = arith.constant 0 : i32
    %dma_wait3A_115 = arith.constant 0 : i32
    %dma_wait3A_116 = arith.constant 0 : i32
    %dma_wait3A_117 = tpu.memref_slice %arg13[%dma_wait3A_113, %dma_wait3A_114, %dma_wait3A_115, %dma_wait3A_116] : memref<3x2x64x256xf32, #tpu.memory_space<vmem>> -> memref<1x2x64x256xf32, #tpu.memory_space<vmem>>
    %dma_wait3A_118 = tpu.memref_squeeze %dma_wait3A_117 : memref<1x2x64x256xf32, #tpu.memory_space<vmem>> -> memref<2x64x256xf32, #tpu.memory_space<vmem>>
    %dma_wait3A_119 = arith.constant 0 : i32
    %dma_wait3A_120 = tpu.memref_slice %arg11[%dma_wait3A_112, %dma_wait3A_119] : memref<16x2xi32, #tpu.memory_space<vmem>> -> memref<1x2xi32, #tpu.memory_space<vmem>>
    %dma_wait3A_121 = tpu.memref_squeeze %dma_wait3A_120 : memref<1x2xi32, #tpu.memory_space<vmem>> -> memref<2xi32, #tpu.memory_space<vmem>>
    %dma_wait3A_122 = arith.constant 0 : i32
    %dma_wait3A_123 = arith.constant 0 : i32
    %dma_wait3A_124 = arith.constant 0 : i32
    %dma_wait3A_125 = tpu.memref_slice %arg5[%dma_wait3A_122, %dma_wait3A_123, %dma_wait3A_124] : memref<4096x64x256xf32, #tpu.memory_space<hbm>> -> memref<4096x64x256xf32, #tpu.memory_space<hbm>>
    tpu.wait_indirect_dma semaphore(%arg15 : memref<!tpu.dma_semaphore, #tpu.memory_space<semaphore_mem>>) src(%dma_wait3A_125 : memref<4096x64x256xf32, #tpu.memory_space<hbm>>) dst(%dma_wait3A_118 : memref<2x64x256xf32, #tpu.memory_space<vmem>>)
    %add3A_126 = arith.constant 2 : i32
    %add3A_127 = arith.addi %mul3A_2, %add3A_126 : i32
    %dma_start3A_128 = arith.constant 1 : i32
    %dma_start3A_129 = arith.constant 0 : i32
    %dma_start3A_130 = arith.constant 0 : i32
    %dma_start3A_131 = arith.constant 0 : i32
    %dma_start3A_132 = tpu.memref_slice %arg13[%dma_start3A_128, %dma_start3A_129, %dma_start3A_130, %dma_start3A_131] : memref<3x2x64x256xf32, #tpu.memory_space<vmem>> -> memref<1x2x64x256xf32, #tpu.memory_space<vmem>>
    %dma_start3A_133 = tpu.memref_squeeze %dma_start3A_132 : memref<1x2x64x256xf32, #tpu.memory_space<vmem>> -> memref<2x64x256xf32, #tpu.memory_space<vmem>>
    %dma_start3A_134 = arith.constant 0 : i32
    %dma_start3A_135 = arith.constant 0 : i32
    %dma_start3A_136 = tpu.memref_slice %arg8[%add3A_127, %dma_start3A_134, %dma_start3A_135] : memref<1024x64x256xf32, #tpu.memory_space<hbm>> -> memref<2x64x256xf32, #tpu.memory_space<hbm>>
    %dma_start3A_137 = arith.constant 0 : i32
    %dma_start3A_138 = arith.constant 0 : i32
    %dma_start3A_139 = tpu.memref_slice %arg8[%add3A_127, %dma_start3A_137, %dma_start3A_138] : memref<1024x64x256xf32, #tpu.memory_space<hbm>> -> memref<2x64x256xf32, #tpu.memory_space<hbm>>
    %dma_start3A_140 = arith.constant 0 : i32
    %dma_start3A_141 = arith.constant 0 : i32
    %dma_start3A_142 = arith.constant 0 : i32
    %dma_start3A_143 = tpu.memref_slice %arg13[%dma_start3A_128, %dma_start3A_140, %dma_start3A_141, %dma_start3A_142] : memref<3x2x64x256xf32, #tpu.memory_space<vmem>> -> memref<1x2x64x256xf32, #tpu.memory_space<vmem>>
    %dma_start3A_144 = tpu.memref_squeeze %dma_start3A_143 : memref<1x2x64x256xf32, #tpu.memory_space<vmem>> -> memref<2x64x256xf32, #tpu.memory_space<vmem>>
    tpu.enqueue_dma source(%dma_start3A_144 : memref<2x64x256xf32, #tpu.memory_space<vmem>>) target(%dma_start3A_139 : memref<2x64x256xf32, #tpu.memory_space<hbm>>) target_semaphore(%arg16 : memref<!tpu.dma_semaphore, #tpu.memory_space<semaphore_mem>>)
    %dma_wait3A_145 = arith.constant 0 : i32
    %dma_wait3A_146 = arith.constant 0 : i32
    %dma_wait3A_147 = arith.constant 0 : i32
    %dma_wait3A_148 = arith.constant 0 : i32
    %dma_wait3A_149 = tpu.memref_slice %arg13[%dma_wait3A_145, %dma_wait3A_146, %dma_wait3A_147, %dma_wait3A_148] : memref<3x2x64x256xf32, #tpu.memory_space<vmem>> -> memref<1x2x64x256xf32, #tpu.memory_space<vmem>>
    %dma_wait3A_150 = tpu.memref_squeeze %dma_wait3A_149 : memref<1x2x64x256xf32, #tpu.memory_space<vmem>> -> memref<2x64x256xf32, #tpu.memory_space<vmem>>
    %dma_wait3A_151 = arith.constant 0 : i32
    %dma_wait3A_152 = arith.constant 0 : i32
    %dma_wait3A_153 = tpu.memref_slice %arg8[%add3A_72, %dma_wait3A_151, %dma_wait3A_152] : memref<1024x64x256xf32, #tpu.memory_space<hbm>> -> memref<2x64x256xf32, #tpu.memory_space<hbm>>
    %dma_wait3A_154 = arith.constant 0 : i32
    %dma_wait3A_155 = arith.constant 0 : i32
    %dma_wait3A_156 = tpu.memref_slice %arg8[%add3A_72, %dma_wait3A_154, %dma_wait3A_155] : memref<1024x64x256xf32, #tpu.memory_space<hbm>> -> memref<2x64x256xf32, #tpu.memory_space<hbm>>
    %dma_wait3A_157 = arith.constant 0 : i32
    %dma_wait3A_158 = arith.constant 0 : i32
    %dma_wait3A_159 = arith.constant 0 : i32
    %dma_wait3A_160 = tpu.memref_slice %arg13[%dma_wait3A_145, %dma_wait3A_157, %dma_wait3A_158, %dma_wait3A_159] : memref<3x2x64x256xf32, #tpu.memory_space<vmem>> -> memref<1x2x64x256xf32, #tpu.memory_space<vmem>>
    %dma_wait3A_161 = tpu.memref_squeeze %dma_wait3A_160 : memref<1x2x64x256xf32, #tpu.memory_space<vmem>> -> memref<2x64x256xf32, #tpu.memory_space<vmem>>
    tpu.wait_dma2 semaphore(%arg16 : memref<!tpu.dma_semaphore, #tpu.memory_space<semaphore_mem>>) src(%dma_wait3A_161 : memref<2x64x256xf32, #tpu.memory_space<vmem>>) dst(%dma_wait3A_156 : memref<2x64x256xf32, #tpu.memory_space<hbm>>)
    %dma_start3A_162 = arith.constant 3 : i32
    %dma_start3A_163 = arith.constant 0 : i32
    %dma_start3A_164 = arith.constant 0 : i32
    %dma_start3A_165 = arith.constant 0 : i32
    %dma_start3A_166 = arith.constant 0 : i32
    %dma_start3A_167 = tpu.memref_slice %arg13[%dma_start3A_163, %dma_start3A_164, %dma_start3A_165, %dma_start3A_166] : memref<3x2x64x256xf32, #tpu.memory_space<vmem>> -> memref<1x2x64x256xf32, #tpu.memory_space<vmem>>
    %dma_start3A_168 = tpu.memref_squeeze %dma_start3A_167 : memref<1x2x64x256xf32, #tpu.memory_space<vmem>> -> memref<2x64x256xf32, #tpu.memory_space<vmem>>
    %dma_start3A_169 = arith.constant 0 : i32
    %dma_start3A_170 = tpu.memref_slice %arg11[%dma_start3A_162, %dma_start3A_169] : memref<16x2xi32, #tpu.memory_space<vmem>> -> memref<1x2xi32, #tpu.memory_space<vmem>>
    %dma_start3A_171 = tpu.memref_squeeze %dma_start3A_170 : memref<1x2xi32, #tpu.memory_space<vmem>> -> memref<2xi32, #tpu.memory_space<vmem>>
    %dma_start3A_172 = arith.constant 0 : i32
    %dma_start3A_173 = arith.constant 0 : i32
    %dma_start3A_174 = arith.constant 0 : i32
    %dma_start3A_175 = tpu.memref_slice %arg5[%dma_start3A_172, %dma_start3A_173, %dma_start3A_174] : memref<4096x64x256xf32, #tpu.memory_space<hbm>> -> memref<4096x64x256xf32, #tpu.memory_space<hbm>>
    tpu.enqueue_indirect_dma source(%dma_start3A_175 : memref<4096x64x256xf32, #tpu.memory_space<hbm>>) target(%dma_start3A_168 : memref<2x64x256xf32, #tpu.memory_space<vmem>>) offsets(%dma_start3A_171 : memref<2xi32, #tpu.memory_space<vmem>>) semaphore(%arg15 : memref<!tpu.dma_semaphore, #tpu.memory_space<semaphore_mem>>)
    %dma_wait3A_176 = arith.constant 2 : i32
    %dma_wait3A_177 = arith.constant 2 : i32
    %dma_wait3A_178 = arith.constant 0 : i32
    %dma_wait3A_179 = arith.constant 0 : i32
    %dma_wait3A_180 = arith.constant 0 : i32
    %dma_wait3A_181 = tpu.memref_slice %arg13[%dma_wait3A_177, %dma_wait3A_178, %dma_wait3A_179, %dma_wait3A_180] : memref<3x2x64x256xf32, #tpu.memory_space<vmem>> -> memref<1x2x64x256xf32, #tpu.memory_space<vmem>>
    %dma_wait3A_182 = tpu.memref_squeeze %dma_wait3A_181 : memref<1x2x64x256xf32, #tpu.memory_space<vmem>> -> memref<2x64x256xf32, #tpu.memory_space<vmem>>
    %dma_wait3A_183 = arith.constant 0 : i32
    %dma_wait3A_184 = tpu.memref_slice %arg11[%dma_wait3A_176, %dma_wait3A_183] : memref<16x2xi32, #tpu.memory_space<vmem>> -> memref<1x2xi32, #tpu.memory_space<vmem>>
    %dma_wait3A_185 = tpu.memref_squeeze %dma_wait3A_184 : memref<1x2xi32, #tpu.memory_space<vmem>> -> memref<2xi32, #tpu.memory_space<vmem>>
    %dma_wait3A_186 = arith.constant 0 : i32
    %dma_wait3A_187 = arith.constant 0 : i32
    %dma_wait3A_188 = arith.constant 0 : i32
    %dma_wait3A_189 = tpu.memref_slice %arg5[%dma_wait3A_186, %dma_wait3A_187, %dma_wait3A_188] : memref<4096x64x256xf32, #tpu.memory_space<hbm>> -> memref<4096x64x256xf32, #tpu.memory_space<hbm>>
    tpu.wait_indirect_dma semaphore(%arg15 : memref<!tpu.dma_semaphore, #tpu.memory_space<semaphore_mem>>) src(%dma_wait3A_189 : memref<4096x64x256xf32, #tpu.memory_space<hbm>>) dst(%dma_wait3A_182 : memref<2x64x256xf32, #tpu.memory_space<vmem>>)
    %add3A_190 = arith.constant 4 : i32
    %add3A_191 = arith.addi %mul3A_2, %add3A_190 : i32
    %dma_start3A_192 = arith.constant 2 : i32
    %dma_start3A_193 = arith.constant 0 : i32
    %dma_start3A_194 = arith.constant 0 : i32
    %dma_start3A_195 = arith.constant 0 : i32
    %dma_start3A_196 = tpu.memref_slice %arg13[%dma_start3A_192, %dma_start3A_193, %dma_start3A_194, %dma_start3A_195] : memref<3x2x64x256xf32, #tpu.memory_space<vmem>> -> memref<1x2x64x256xf32, #tpu.memory_space<vmem>>
    %dma_start3A_197 = tpu.memref_squeeze %dma_start3A_196 : memref<1x2x64x256xf32, #tpu.memory_space<vmem>> -> memref<2x64x256xf32, #tpu.memory_space<vmem>>
    %dma_start3A_198 = arith.constant 0 : i32
    %dma_start3A_199 = arith.constant 0 : i32
    %dma_start3A_200 = tpu.memref_slice %arg8[%add3A_191, %dma_start3A_198, %dma_start3A_199] : memref<1024x64x256xf32, #tpu.memory_space<hbm>> -> memref<2x64x256xf32, #tpu.memory_space<hbm>>
    %dma_start3A_201 = arith.constant 0 : i32
    %dma_start3A_202 = arith.constant 0 : i32
    %dma_start3A_203 = tpu.memref_slice %arg8[%add3A_191, %dma_start3A_201, %dma_start3A_202] : memref<1024x64x256xf32, #tpu.memory_space<hbm>> -> memref<2x64x256xf32, #tpu.memory_space<hbm>>
    %dma_start3A_204 = arith.constant 0 : i32
    %dma_start3A_205 = arith.constant 0 : i32
    %dma_start3A_206 = arith.constant 0 : i32
    %dma_start3A_207 = tpu.memref_slice %arg13[%dma_start3A_192, %dma_start3A_204, %dma_start3A_205, %dma_start3A_206] : memref<3x2x64x256xf32, #tpu.memory_space<vmem>> -> memref<1x2x64x256xf32, #tpu.memory_space<vmem>>
    %dma_start3A_208 = tpu.memref_squeeze %dma_start3A_207 : memref<1x2x64x256xf32, #tpu.memory_space<vmem>> -> memref<2x64x256xf32, #tpu.memory_space<vmem>>
    tpu.enqueue_dma source(%dma_start3A_208 : memref<2x64x256xf32, #tpu.memory_space<vmem>>) target(%dma_start3A_203 : memref<2x64x256xf32, #tpu.memory_space<hbm>>) target_semaphore(%arg16 : memref<!tpu.dma_semaphore, #tpu.memory_space<semaphore_mem>>)
    %dma_wait3A_209 = arith.constant 1 : i32
    %dma_wait3A_210 = arith.constant 0 : i32
    %dma_wait3A_211 = arith.constant 0 : i32
    %dma_wait3A_212 = arith.constant 0 : i32
    %dma_wait3A_213 = tpu.memref_slice %arg13[%dma_wait3A_209, %dma_wait3A_210, %dma_wait3A_211, %dma_wait3A_212] : memref<3x2x64x256xf32, #tpu.memory_space<vmem>> -> memref<1x2x64x256xf32, #tpu.memory_space<vmem>>
    %dma_wait3A_214 = tpu.memref_squeeze %dma_wait3A_213 : memref<1x2x64x256xf32, #tpu.memory_space<vmem>> -> memref<2x64x256xf32, #tpu.memory_space<vmem>>
    %dma_wait3A_215 = arith.constant 0 : i32
    %dma_wait3A_216 = arith.constant 0 : i32
    %dma_wait3A_217 = tpu.memref_slice %arg8[%add3A_127, %dma_wait3A_215, %dma_wait3A_216] : memref<1024x64x256xf32, #tpu.memory_space<hbm>> -> memref<2x64x256xf32, #tpu.memory_space<hbm>>
    %dma_wait3A_218 = arith.constant 0 : i32
    %dma_wait3A_219 = arith.constant 0 : i32
    %dma_wait3A_220 = tpu.memref_slice %arg8[%add3A_127, %dma_wait3A_218, %dma_wait3A_219] : memref<1024x64x256xf32, #tpu.memory_space<hbm>> -> memref<2x64x256xf32, #tpu.memory_space<hbm>>
    %dma_wait3A_221 = arith.constant 0 : i32
    %dma_wait3A_222 = arith.constant 0 : i32
    %dma_wait3A_223 = arith.constant 0 : i32
    %dma_wait3A_224 = tpu.memref_slice %arg13[%dma_wait3A_209, %dma_wait3A_221, %dma_wait3A_222, %dma_wait3A_223] : memref<3x2x64x256xf32, #tpu.memory_space<vmem>> -> memref<1x2x64x256xf32, #tpu.memory_space<vmem>>
    %dma_wait3A_225 = tpu.memref_squeeze %dma_wait3A_224 : memref<1x2x64x256xf32, #tpu.memory_space<vmem>> -> memref<2x64x256xf32, #tpu.memory_space<vmem>>
    tpu.wait_dma2 semaphore(%arg16 : memref<!tpu.dma_semaphore, #tpu.memory_space<semaphore_mem>>) src(%dma_wait3A_225 : memref<2x64x256xf32, #tpu.memory_space<vmem>>) dst(%dma_wait3A_220 : memref<2x64x256xf32, #tpu.memory_space<hbm>>)
    %dma_start3A_226 = arith.constant 4 : i32
    %dma_start3A_227 = arith.constant 1 : i32
    %dma_start3A_228 = arith.constant 0 : i32
    %dma_start3A_229 = arith.constant 0 : i32
    %dma_start3A_230 = arith.constant 0 : i32
    %dma_start3A_231 = tpu.memref_slice %arg13[%dma_start3A_227, %dma_start3A_228, %dma_start3A_229, %dma_start3A_230] : memref<3x2x64x256xf32, #tpu.memory_space<vmem>> -> memref<1x2x64x256xf32, #tpu.memory_space<vmem>>
    %dma_start3A_232 = tpu.memref_squeeze %dma_start3A_231 : memref<1x2x64x256xf32, #tpu.memory_space<vmem>> -> memref<2x64x256xf32, #tpu.memory_space<vmem>>
    %dma_start3A_233 = arith.constant 0 : i32
    %dma_start3A_234 = tpu.memref_slice %arg11[%dma_start3A_226, %dma_start3A_233] : memref<16x2xi32, #tpu.memory_space<vmem>> -> memref<1x2xi32, #tpu.memory_space<vmem>>
    %dma_start3A_235 = tpu.memref_squeeze %dma_start3A_234 : memref<1x2xi32, #tpu.memory_space<vmem>> -> memref<2xi32, #tpu.memory_space<vmem>>
    %dma_start3A_236 = arith.constant 0 : i32
    %dma_start3A_237 = arith.constant 0 : i32
    %dma_start3A_238 = arith.constant 0 : i32
    %dma_start3A_239 = tpu.memref_slice %arg5[%dma_start3A_236, %dma_start3A_237, %dma_start3A_238] : memref<4096x64x256xf32, #tpu.memory_space<hbm>> -> memref<4096x64x256xf32, #tpu.memory_space<hbm>>
    tpu.enqueue_indirect_dma source(%dma_start3A_239 : memref<4096x64x256xf32, #tpu.memory_space<hbm>>) target(%dma_start3A_232 : memref<2x64x256xf32, #tpu.memory_space<vmem>>) offsets(%dma_start3A_235 : memref<2xi32, #tpu.memory_space<vmem>>) semaphore(%arg15 : memref<!tpu.dma_semaphore, #tpu.memory_space<semaphore_mem>>)
    %dma_wait3A_240 = arith.constant 3 : i32
    %dma_wait3A_241 = arith.constant 0 : i32
    %dma_wait3A_242 = arith.constant 0 : i32
    %dma_wait3A_243 = arith.constant 0 : i32
    %dma_wait3A_244 = arith.constant 0 : i32
    %dma_wait3A_245 = tpu.memref_slice %arg13[%dma_wait3A_241, %dma_wait3A_242, %dma_wait3A_243, %dma_wait3A_244] : memref<3x2x64x256xf32, #tpu.memory_space<vmem>> -> memref<1x2x64x256xf32, #tpu.memory_space<vmem>>
    %dma_wait3A_246 = tpu.memref_squeeze %dma_wait3A_245 : memref<1x2x64x256xf32, #tpu.memory_space<vmem>> -> memref<2x64x256xf32, #tpu.memory_space<vmem>>
    %dma_wait3A_247 = arith.constant 0 : i32
    %dma_wait3A_248 = tpu.memref_slice %arg11[%dma_wait3A_240, %dma_wait3A_247] : memref<16x2xi32, #tpu.memory_space<vmem>> -> memref<1x2xi32, #tpu.memory_space<vmem>>
    %dma_wait3A_249 = tpu.memref_squeeze %dma_wait3A_248 : memref<1x2xi32, #tpu.memory_space<vmem>> -> memref<2xi32, #tpu.memory_space<vmem>>
    %dma_wait3A_250 = arith.constant 0 : i32
    %dma_wait3A_251 = arith.constant 0 : i32
    %dma_wait3A_252 = arith.constant 0 : i32
    %dma_wait3A_253 = tpu.memref_slice %arg5[%dma_wait3A_250, %dma_wait3A_251, %dma_wait3A_252] : memref<4096x64x256xf32, #tpu.memory_space<hbm>> -> memref<4096x64x256xf32, #tpu.memory_space<hbm>>
    tpu.wait_indirect_dma semaphore(%arg15 : memref<!tpu.dma_semaphore, #tpu.memory_space<semaphore_mem>>) src(%dma_wait3A_253 : memref<4096x64x256xf32, #tpu.memory_space<hbm>>) dst(%dma_wait3A_246 : memref<2x64x256xf32, #tpu.memory_space<vmem>>)
    %add3A_254 = arith.constant 6 : i32
    %add3A_255 = arith.addi %mul3A_2, %add3A_254 : i32
    %dma_start3A_256 = arith.constant 0 : i32
    %dma_start3A_257 = arith.constant 0 : i32
    %dma_start3A_258 = arith.constant 0 : i32
    %dma_start3A_259 = arith.constant 0 : i32
    %dma_start3A_260 = tpu.memref_slice %arg13[%dma_start3A_256, %dma_start3A_257, %dma_start3A_258, %dma_start3A_259] : memref<3x2x64x256xf32, #tpu.memory_space<vmem>> -> memref<1x2x64x256xf32, #tpu.memory_space<vmem>>
    %dma_start3A_261 = tpu.memref_squeeze %dma_start3A_260 : memref<1x2x64x256xf32, #tpu.memory_space<vmem>> -> memref<2x64x256xf32, #tpu.memory_space<vmem>>
    %dma_start3A_262 = arith.constant 0 : i32
    %dma_start3A_263 = arith.constant 0 : i32
    %dma_start3A_264 = tpu.memref_slice %arg8[%add3A_255, %dma_start3A_262, %dma_start3A_263] : memref<1024x64x256xf32, #tpu.memory_space<hbm>> -> memref<2x64x256xf32, #tpu.memory_space<hbm>>
    %dma_start3A_265 = arith.constant 0 : i32
    %dma_start3A_266 = arith.constant 0 : i32
    %dma_start3A_267 = tpu.memref_slice %arg8[%add3A_255, %dma_start3A_265, %dma_start3A_266] : memref<1024x64x256xf32, #tpu.memory_space<hbm>> -> memref<2x64x256xf32, #tpu.memory_space<hbm>>
    %dma_start3A_268 = arith.constant 0 : i32
    %dma_start3A_269 = arith.constant 0 : i32
    %dma_start3A_270 = arith.constant 0 : i32
    %dma_start3A_271 = tpu.memref_slice %arg13[%dma_start3A_256, %dma_start3A_268, %dma_start3A_269, %dma_start3A_270] : memref<3x2x64x256xf32, #tpu.memory_space<vmem>> -> memref<1x2x64x256xf32, #tpu.memory_space<vmem>>
    %dma_start3A_272 = tpu.memref_squeeze %dma_start3A_271 : memref<1x2x64x256xf32, #tpu.memory_space<vmem>> -> memref<2x64x256xf32, #tpu.memory_space<vmem>>
    tpu.enqueue_dma source(%dma_start3A_272 : memref<2x64x256xf32, #tpu.memory_space<vmem>>) target(%dma_start3A_267 : memref<2x64x256xf32, #tpu.memory_space<hbm>>) target_semaphore(%arg16 : memref<!tpu.dma_semaphore, #tpu.memory_space<semaphore_mem>>)
    %dma_wait3A_273 = arith.constant 2 : i32
    %dma_wait3A_274 = arith.constant 0 : i32
    %dma_wait3A_275 = arith.constant 0 : i32
    %dma_wait3A_276 = arith.constant 0 : i32
    %dma_wait3A_277 = tpu.memref_slice %arg13[%dma_wait3A_273, %dma_wait3A_274, %dma_wait3A_275, %dma_wait3A_276] : memref<3x2x64x256xf32, #tpu.memory_space<vmem>> -> memref<1x2x64x256xf32, #tpu.memory_space<vmem>>
    %dma_wait3A_278 = tpu.memref_squeeze %dma_wait3A_277 : memref<1x2x64x256xf32, #tpu.memory_space<vmem>> -> memref<2x64x256xf32, #tpu.memory_space<vmem>>
    %dma_wait3A_279 = arith.constant 0 : i32
    %dma_wait3A_280 = arith.constant 0 : i32
    %dma_wait3A_281 = tpu.memref_slice %arg8[%add3A_191, %dma_wait3A_279, %dma_wait3A_280] : memref<1024x64x256xf32, #tpu.memory_space<hbm>> -> memref<2x64x256xf32, #tpu.memory_space<hbm>>
    %dma_wait3A_282 = arith.constant 0 : i32
    %dma_wait3A_283 = arith.constant 0 : i32
    %dma_wait3A_284 = tpu.memref_slice %arg8[%add3A_191, %dma_wait3A_282, %dma_wait3A_283] : memref<1024x64x256xf32, #tpu.memory_space<hbm>> -> memref<2x64x256xf32, #tpu.memory_space<hbm>>
    %dma_wait3A_285 = arith.constant 0 : i32
    %dma_wait3A_286 = arith.constant 0 : i32
    %dma_wait3A_287 = arith.constant 0 : i32
    %dma_wait3A_288 = tpu.memref_slice %arg13[%dma_wait3A_273, %dma_wait3A_285, %dma_wait3A_286, %dma_wait3A_287] : memref<3x2x64x256xf32, #tpu.memory_space<vmem>> -> memref<1x2x64x256xf32, #tpu.memory_space<vmem>>
    %dma_wait3A_289 = tpu.memref_squeeze %dma_wait3A_288 : memref<1x2x64x256xf32, #tpu.memory_space<vmem>> -> memref<2x64x256xf32, #tpu.memory_space<vmem>>
    tpu.wait_dma2 semaphore(%arg16 : memref<!tpu.dma_semaphore, #tpu.memory_space<semaphore_mem>>) src(%dma_wait3A_289 : memref<2x64x256xf32, #tpu.memory_space<vmem>>) dst(%dma_wait3A_284 : memref<2x64x256xf32, #tpu.memory_space<hbm>>)
    %dma_start3A_290 = arith.constant 5 : i32
    %dma_start3A_291 = arith.constant 2 : i32
    %dma_start3A_292 = arith.constant 0 : i32
    %dma_start3A_293 = arith.constant 0 : i32
    %dma_start3A_294 = arith.constant 0 : i32
    %dma_start3A_295 = tpu.memref_slice %arg13[%dma_start3A_291, %dma_start3A_292, %dma_start3A_293, %dma_start3A_294] : memref<3x2x64x256xf32, #tpu.memory_space<vmem>> -> memref<1x2x64x256xf32, #tpu.memory_space<vmem>>
    %dma_start3A_296 = tpu.memref_squeeze %dma_start3A_295 : memref<1x2x64x256xf32, #tpu.memory_space<vmem>> -> memref<2x64x256xf32, #tpu.memory_space<vmem>>
    %dma_start3A_297 = arith.constant 0 : i32
    %dma_start3A_298 = tpu.memref_slice %arg11[%dma_start3A_290, %dma_start3A_297] : memref<16x2xi32, #tpu.memory_space<vmem>> -> memref<1x2xi32, #tpu.memory_space<vmem>>
    %dma_start3A_299 = tpu.memref_squeeze %dma_start3A_298 : memref<1x2xi32, #tpu.memory_space<vmem>> -> memref<2xi32, #tpu.memory_space<vmem>>
    %dma_start3A_300 = arith.constant 0 : i32
    %dma_start3A_301 = arith.constant 0 : i32
    %dma_start3A_302 = arith.constant 0 : i32
    %dma_start3A_303 = tpu.memref_slice %arg5[%dma_start3A_300, %dma_start3A_301, %dma_start3A_302] : memref<4096x64x256xf32, #tpu.memory_space<hbm>> -> memref<4096x64x256xf32, #tpu.memory_space<hbm>>
    tpu.enqueue_indirect_dma source(%dma_start3A_303 : memref<4096x64x256xf32, #tpu.memory_space<hbm>>) target(%dma_start3A_296 : memref<2x64x256xf32, #tpu.memory_space<vmem>>) offsets(%dma_start3A_299 : memref<2xi32, #tpu.memory_space<vmem>>) semaphore(%arg15 : memref<!tpu.dma_semaphore, #tpu.memory_space<semaphore_mem>>)
    %dma_wait3A_304 = arith.constant 4 : i32
    %dma_wait3A_305 = arith.constant 1 : i32
    %dma_wait3A_306 = arith.constant 0 : i32
    %dma_wait3A_307 = arith.constant 0 : i32
    %dma_wait3A_308 = arith.constant 0 : i32
    %dma_wait3A_309 = tpu.memref_slice %arg13[%dma_wait3A_305, %dma_wait3A_306, %dma_wait3A_307, %dma_wait3A_308] : memref<3x2x64x256xf32, #tpu.memory_space<vmem>> -> memref<1x2x64x256xf32, #tpu.memory_space<vmem>>
    %dma_wait3A_310 = tpu.memref_squeeze %dma_wait3A_309 : memref<1x2x64x256xf32, #tpu.memory_space<vmem>> -> memref<2x64x256xf32, #tpu.memory_space<vmem>>
    %dma_wait3A_311 = arith.constant 0 : i32
    %dma_wait3A_312 = tpu.memref_slice %arg11[%dma_wait3A_304, %dma_wait3A_311] : memref<16x2xi32, #tpu.memory_space<vmem>> -> memref<1x2xi32, #tpu.memory_space<vmem>>
    %dma_wait3A_313 = tpu.memref_squeeze %dma_wait3A_312 : memref<1x2xi32, #tpu.memory_space<vmem>> -> memref<2xi32, #tpu.memory_space<vmem>>
    %dma_wait3A_314 = arith.constant 0 : i32
    %dma_wait3A_315 = arith.constant 0 : i32
    %dma_wait3A_316 = arith.constant 0 : i32
    %dma_wait3A_317 = tpu.memref_slice %arg5[%dma_wait3A_314, %dma_wait3A_315, %dma_wait3A_316] : memref<4096x64x256xf32, #tpu.memory_space<hbm>> -> memref<4096x64x256xf32, #tpu.memory_space<hbm>>
    tpu.wait_indirect_dma semaphore(%arg15 : memref<!tpu.dma_semaphore, #tpu.memory_space<semaphore_mem>>) src(%dma_wait3A_317 : memref<4096x64x256xf32, #tpu.memory_space<hbm>>) dst(%dma_wait3A_310 : memref<2x64x256xf32, #tpu.memory_space<vmem>>)
    %add3A_318 = arith.constant 8 : i32
    %add3A_319 = arith.addi %mul3A_2, %add3A_318 : i32
    %dma_start3A_320 = arith.constant 1 : i32
    %dma_start3A_321 = arith.constant 0 : i32
    %dma_start3A_322 = arith.constant 0 : i32
    %dma_start3A_323 = arith.constant 0 : i32
    %dma_start3A_324 = tpu.memref_slice %arg13[%dma_start3A_320, %dma_start3A_321, %dma_start3A_322, %dma_start3A_323] : memref<3x2x64x256xf32, #tpu.memory_space<vmem>> -> memref<1x2x64x256xf32, #tpu.memory_space<vmem>>
    %dma_start3A_325 = tpu.memref_squeeze %dma_start3A_324 : memref<1x2x64x256xf32, #tpu.memory_space<vmem>> -> memref<2x64x256xf32, #tpu.memory_space<vmem>>
    %dma_start3A_326 = arith.constant 0 : i32
    %dma_start3A_327 = arith.constant 0 : i32
    %dma_start3A_328 = tpu.memref_slice %arg8[%add3A_319, %dma_start3A_326, %dma_start3A_327] : memref<1024x64x256xf32, #tpu.memory_space<hbm>> -> memref<2x64x256xf32, #tpu.memory_space<hbm>>
    %dma_start3A_329 = arith.constant 0 : i32
    %dma_start3A_330 = arith.constant 0 : i32
    %dma_start3A_331 = tpu.memref_slice %arg8[%add3A_319, %dma_start3A_329, %dma_start3A_330] : memref<1024x64x256xf32, #tpu.memory_space<hbm>> -> memref<2x64x256xf32, #tpu.memory_space<hbm>>
    %dma_start3A_332 = arith.constant 0 : i32
    %dma_start3A_333 = arith.constant 0 : i32
    %dma_start3A_334 = arith.constant 0 : i32
    %dma_start3A_335 = tpu.memref_slice %arg13[%dma_start3A_320, %dma_start3A_332, %dma_start3A_333, %dma_start3A_334] : memref<3x2x64x256xf32, #tpu.memory_space<vmem>> -> memref<1x2x64x256xf32, #tpu.memory_space<vmem>>
    %dma_start3A_336 = tpu.memref_squeeze %dma_start3A_335 : memref<1x2x64x256xf32, #tpu.memory_space<vmem>> -> memref<2x64x256xf32, #tpu.memory_space<vmem>>
    tpu.enqueue_dma source(%dma_start3A_336 : memref<2x64x256xf32, #tpu.memory_space<vmem>>) target(%dma_start3A_331 : memref<2x64x256xf32, #tpu.memory_space<hbm>>) target_semaphore(%arg16 : memref<!tpu.dma_semaphore, #tpu.memory_space<semaphore_mem>>)
    %dma_wait3A_337 = arith.constant 0 : i32
    %dma_wait3A_338 = arith.constant 0 : i32
    %dma_wait3A_339 = arith.constant 0 : i32
    %dma_wait3A_340 = arith.constant 0 : i32
    %dma_wait3A_341 = tpu.memref_slice %arg13[%dma_wait3A_337, %dma_wait3A_338, %dma_wait3A_339, %dma_wait3A_340] : memref<3x2x64x256xf32, #tpu.memory_space<vmem>> -> memref<1x2x64x256xf32, #tpu.memory_space<vmem>>
    %dma_wait3A_342 = tpu.memref_squeeze %dma_wait3A_341 : memref<1x2x64x256xf32, #tpu.memory_space<vmem>> -> memref<2x64x256xf32, #tpu.memory_space<vmem>>
    %dma_wait3A_343 = arith.constant 0 : i32
    %dma_wait3A_344 = arith.constant 0 : i32
    %dma_wait3A_345 = tpu.memref_slice %arg8[%add3A_255, %dma_wait3A_343, %dma_wait3A_344] : memref<1024x64x256xf32, #tpu.memory_space<hbm>> -> memref<2x64x256xf32, #tpu.memory_space<hbm>>
    %dma_wait3A_346 = arith.constant 0 : i32
    %dma_wait3A_347 = arith.constant 0 : i32
    %dma_wait3A_348 = tpu.memref_slice %arg8[%add3A_255, %dma_wait3A_346, %dma_wait3A_347] : memref<1024x64x256xf32, #tpu.memory_space<hbm>> -> memref<2x64x256xf32, #tpu.memory_space<hbm>>
    %dma_wait3A_349 = arith.constant 0 : i32
    %dma_wait3A_350 = arith.constant 0 : i32
    %dma_wait3A_351 = arith.constant 0 : i32
    %dma_wait3A_352 = tpu.memref_slice %arg13[%dma_wait3A_337, %dma_wait3A_349, %dma_wait3A_350, %dma_wait3A_351] : memref<3x2x64x256xf32, #tpu.memory_space<vmem>> -> memref<1x2x64x256xf32, #tpu.memory_space<vmem>>
    %dma_wait3A_353 = tpu.memref_squeeze %dma_wait3A_352 : memref<1x2x64x256xf32, #tpu.memory_space<vmem>> -> memref<2x64x256xf32, #tpu.memory_space<vmem>>
    tpu.wait_dma2 semaphore(%arg16 : memref<!tpu.dma_semaphore, #tpu.memory_space<semaphore_mem>>) src(%dma_wait3A_353 : memref<2x64x256xf32, #tpu.memory_space<vmem>>) dst(%dma_wait3A_348 : memref<2x64x256xf32, #tpu.memory_space<hbm>>)
    %dma_start3A_354 = arith.constant 6 : i32
    %dma_start3A_355 = arith.constant 0 : i32
    %dma_start3A_356 = arith.constant 0 : i32
    %dma_start3A_357 = arith.constant 0 : i32
    %dma_start3A_358 = arith.constant 0 : i32
    %dma_start3A_359 = tpu.memref_slice %arg13[%dma_start3A_355, %dma_start3A_356, %dma_start3A_357, %dma_start3A_358] : memref<3x2x64x256xf32, #tpu.memory_space<vmem>> -> memref<1x2x64x256xf32, #tpu.memory_space<vmem>>
    %dma_start3A_360 = tpu.memref_squeeze %dma_start3A_359 : memref<1x2x64x256xf32, #tpu.memory_space<vmem>> -> memref<2x64x256xf32, #tpu.memory_space<vmem>>
    %dma_start3A_361 = arith.constant 0 : i32
    %dma_start3A_362 = tpu.memref_slice %arg11[%dma_start3A_354, %dma_start3A_361] : memref<16x2xi32, #tpu.memory_space<vmem>> -> memref<1x2xi32, #tpu.memory_space<vmem>>
    %dma_start3A_363 = tpu.memref_squeeze %dma_start3A_362 : memref<1x2xi32, #tpu.memory_space<vmem>> -> memref<2xi32, #tpu.memory_space<vmem>>
    %dma_start3A_364 = arith.constant 0 : i32
    %dma_start3A_365 = arith.constant 0 : i32
    %dma_start3A_366 = arith.constant 0 : i32
    %dma_start3A_367 = tpu.memref_slice %arg5[%dma_start3A_364, %dma_start3A_365, %dma_start3A_366] : memref<4096x64x256xf32, #tpu.memory_space<hbm>> -> memref<4096x64x256xf32, #tpu.memory_space<hbm>>
    tpu.enqueue_indirect_dma source(%dma_start3A_367 : memref<4096x64x256xf32, #tpu.memory_space<hbm>>) target(%dma_start3A_360 : memref<2x64x256xf32, #tpu.memory_space<vmem>>) offsets(%dma_start3A_363 : memref<2xi32, #tpu.memory_space<vmem>>) semaphore(%arg15 : memref<!tpu.dma_semaphore, #tpu.memory_space<semaphore_mem>>)
    %dma_wait3A_368 = arith.constant 5 : i32
    %dma_wait3A_369 = arith.constant 2 : i32
    %dma_wait3A_370 = arith.constant 0 : i32
    %dma_wait3A_371 = arith.constant 0 : i32
    %dma_wait3A_372 = arith.constant 0 : i32
    %dma_wait3A_373 = tpu.memref_slice %arg13[%dma_wait3A_369, %dma_wait3A_370, %dma_wait3A_371, %dma_wait3A_372] : memref<3x2x64x256xf32, #tpu.memory_space<vmem>> -> memref<1x2x64x256xf32, #tpu.memory_space<vmem>>
    %dma_wait3A_374 = tpu.memref_squeeze %dma_wait3A_373 : memref<1x2x64x256xf32, #tpu.memory_space<vmem>> -> memref<2x64x256xf32, #tpu.memory_space<vmem>>
    %dma_wait3A_375 = arith.constant 0 : i32
    %dma_wait3A_376 = tpu.memref_slice %arg11[%dma_wait3A_368, %dma_wait3A_375] : memref<16x2xi32, #tpu.memory_space<vmem>> -> memref<1x2xi32, #tpu.memory_space<vmem>>
    %dma_wait3A_377 = tpu.memref_squeeze %dma_wait3A_376 : memref<1x2xi32, #tpu.memory_space<vmem>> -> memref<2xi32, #tpu.memory_space<vmem>>
    %dma_wait3A_378 = arith.constant 0 : i32
    %dma_wait3A_379 = arith.constant 0 : i32
    %dma_wait3A_380 = arith.constant 0 : i32
    %dma_wait3A_381 = tpu.memref_slice %arg5[%dma_wait3A_378, %dma_wait3A_379, %dma_wait3A_380] : memref<4096x64x256xf32, #tpu.memory_space<hbm>> -> memref<4096x64x256xf32, #tpu.memory_space<hbm>>
    tpu.wait_indirect_dma semaphore(%arg15 : memref<!tpu.dma_semaphore, #tpu.memory_space<semaphore_mem>>) src(%dma_wait3A_381 : memref<4096x64x256xf32, #tpu.memory_space<hbm>>) dst(%dma_wait3A_374 : memref<2x64x256xf32, #tpu.memory_space<vmem>>)
    %add3A_382 = arith.constant 10 : i32
    %add3A_383 = arith.addi %mul3A_2, %add3A_382 : i32
    %dma_start3A_384 = arith.constant 2 : i32
    %dma_start3A_385 = arith.constant 0 : i32
    %dma_start3A_386 = arith.constant 0 : i32
    %dma_start3A_387 = arith.constant 0 : i32
    %dma_start3A_388 = tpu.memref_slice %arg13[%dma_start3A_384, %dma_start3A_385, %dma_start3A_386, %dma_start3A_387] : memref<3x2x64x256xf32, #tpu.memory_space<vmem>> -> memref<1x2x64x256xf32, #tpu.memory_space<vmem>>
    %dma_start3A_389 = tpu.memref_squeeze %dma_start3A_388 : memref<1x2x64x256xf32, #tpu.memory_space<vmem>> -> memref<2x64x256xf32, #tpu.memory_space<vmem>>
    %dma_start3A_390 = arith.constant 0 : i32
    %dma_start3A_391 = arith.constant 0 : i32
    %dma_start3A_392 = tpu.memref_slice %arg8[%add3A_383, %dma_start3A_390, %dma_start3A_391] : memref<1024x64x256xf32, #tpu.memory_space<hbm>> -> memref<2x64x256xf32, #tpu.memory_space<hbm>>
    %dma_start3A_393 = arith.constant 0 : i32
    %dma_start3A_394 = arith.constant 0 : i32
    %dma_start3A_395 = tpu.memref_slice %arg8[%add3A_383, %dma_start3A_393, %dma_start3A_394] : memref<1024x64x256xf32, #tpu.memory_space<hbm>> -> memref<2x64x256xf32, #tpu.memory_space<hbm>>
    %dma_start3A_396 = arith.constant 0 : i32
    %dma_start3A_397 = arith.constant 0 : i32
    %dma_start3A_398 = arith.constant 0 : i32
    %dma_start3A_399 = tpu.memref_slice %arg13[%dma_start3A_384, %dma_start3A_396, %dma_start3A_397, %dma_start3A_398] : memref<3x2x64x256xf32, #tpu.memory_space<vmem>> -> memref<1x2x64x256xf32, #tpu.memory_space<vmem>>
    %dma_start3A_400 = tpu.memref_squeeze %dma_start3A_399 : memref<1x2x64x256xf32, #tpu.memory_space<vmem>> -> memref<2x64x256xf32, #tpu.memory_space<vmem>>
    tpu.enqueue_dma source(%dma_start3A_400 : memref<2x64x256xf32, #tpu.memory_space<vmem>>) target(%dma_start3A_395 : memref<2x64x256xf32, #tpu.memory_space<hbm>>) target_semaphore(%arg16 : memref<!tpu.dma_semaphore, #tpu.memory_space<semaphore_mem>>)
    %dma_wait3A_401 = arith.constant 1 : i32
    %dma_wait3A_402 = arith.constant 0 : i32
    %dma_wait3A_403 = arith.constant 0 : i32
    %dma_wait3A_404 = arith.constant 0 : i32
    %dma_wait3A_405 = tpu.memref_slice %arg13[%dma_wait3A_401, %dma_wait3A_402, %dma_wait3A_403, %dma_wait3A_404] : memref<3x2x64x256xf32, #tpu.memory_space<vmem>> -> memref<1x2x64x256xf32, #tpu.memory_space<vmem>>
    %dma_wait3A_406 = tpu.memref_squeeze %dma_wait3A_405 : memref<1x2x64x256xf32, #tpu.memory_space<vmem>> -> memref<2x64x256xf32, #tpu.memory_space<vmem>>
    %dma_wait3A_407 = arith.constant 0 : i32
    %dma_wait3A_408 = arith.constant 0 : i32
    %dma_wait3A_409 = tpu.memref_slice %arg8[%add3A_319, %dma_wait3A_407, %dma_wait3A_408] : memref<1024x64x256xf32, #tpu.memory_space<hbm>> -> memref<2x64x256xf32, #tpu.memory_space<hbm>>
    %dma_wait3A_410 = arith.constant 0 : i32
    %dma_wait3A_411 = arith.constant 0 : i32
    %dma_wait3A_412 = tpu.memref_slice %arg8[%add3A_319, %dma_wait3A_410, %dma_wait3A_411] : memref<1024x64x256xf32, #tpu.memory_space<hbm>> -> memref<2x64x256xf32, #tpu.memory_space<hbm>>
    %dma_wait3A_413 = arith.constant 0 : i32
    %dma_wait3A_414 = arith.constant 0 : i32
    %dma_wait3A_415 = arith.constant 0 : i32
    %dma_wait3A_416 = tpu.memref_slice %arg13[%dma_wait3A_401, %dma_wait3A_413, %dma_wait3A_414, %dma_wait3A_415] : memref<3x2x64x256xf32, #tpu.memory_space<vmem>> -> memref<1x2x64x256xf32, #tpu.memory_space<vmem>>
    %dma_wait3A_417 = tpu.memref_squeeze %dma_wait3A_416 : memref<1x2x64x256xf32, #tpu.memory_space<vmem>> -> memref<2x64x256xf32, #tpu.memory_space<vmem>>
    tpu.wait_dma2 semaphore(%arg16 : memref<!tpu.dma_semaphore, #tpu.memory_space<semaphore_mem>>) src(%dma_wait3A_417 : memref<2x64x256xf32, #tpu.memory_space<vmem>>) dst(%dma_wait3A_412 : memref<2x64x256xf32, #tpu.memory_space<hbm>>)
    %dma_start3A_418 = arith.constant 7 : i32
    %dma_start3A_419 = arith.constant 1 : i32
    %dma_start3A_420 = arith.constant 0 : i32
    %dma_start3A_421 = arith.constant 0 : i32
    %dma_start3A_422 = arith.constant 0 : i32
    %dma_start3A_423 = tpu.memref_slice %arg13[%dma_start3A_419, %dma_start3A_420, %dma_start3A_421, %dma_start3A_422] : memref<3x2x64x256xf32, #tpu.memory_space<vmem>> -> memref<1x2x64x256xf32, #tpu.memory_space<vmem>>
    %dma_start3A_424 = tpu.memref_squeeze %dma_start3A_423 : memref<1x2x64x256xf32, #tpu.memory_space<vmem>> -> memref<2x64x256xf32, #tpu.memory_space<vmem>>
    %dma_start3A_425 = arith.constant 0 : i32
    %dma_start3A_426 = tpu.memref_slice %arg11[%dma_start3A_418, %dma_start3A_425] : memref<16x2xi32, #tpu.memory_space<vmem>> -> memref<1x2xi32, #tpu.memory_space<vmem>>
    %dma_start3A_427 = tpu.memref_squeeze %dma_start3A_426 : memref<1x2xi32, #tpu.memory_space<vmem>> -> memref<2xi32, #tpu.memory_space<vmem>>
    %dma_start3A_428 = arith.constant 0 : i32
    %dma_start3A_429 = arith.constant 0 : i32
    %dma_start3A_430 = arith.constant 0 : i32
    %dma_start3A_431 = tpu.memref_slice %arg5[%dma_start3A_428, %dma_start3A_429, %dma_start3A_430] : memref<4096x64x256xf32, #tpu.memory_space<hbm>> -> memref<4096x64x256xf32, #tpu.memory_space<hbm>>
    tpu.enqueue_indirect_dma source(%dma_start3A_431 : memref<4096x64x256xf32, #tpu.memory_space<hbm>>) target(%dma_start3A_424 : memref<2x64x256xf32, #tpu.memory_space<vmem>>) offsets(%dma_start3A_427 : memref<2xi32, #tpu.memory_space<vmem>>) semaphore(%arg15 : memref<!tpu.dma_semaphore, #tpu.memory_space<semaphore_mem>>)
    %dma_wait3A_432 = arith.constant 6 : i32
    %dma_wait3A_433 = arith.constant 0 : i32
    %dma_wait3A_434 = arith.constant 0 : i32
    %dma_wait3A_435 = arith.constant 0 : i32
    %dma_wait3A_436 = arith.constant 0 : i32
    %dma_wait3A_437 = tpu.memref_slice %arg13[%dma_wait3A_433, %dma_wait3A_434, %dma_wait3A_435, %dma_wait3A_436] : memref<3x2x64x256xf32, #tpu.memory_space<vmem>> -> memref<1x2x64x256xf32, #tpu.memory_space<vmem>>
    %dma_wait3A_438 = tpu.memref_squeeze %dma_wait3A_437 : memref<1x2x64x256xf32, #tpu.memory_space<vmem>> -> memref<2x64x256xf32, #tpu.memory_space<vmem>>
    %dma_wait3A_439 = arith.constant 0 : i32
    %dma_wait3A_440 = tpu.memref_slice %arg11[%dma_wait3A_432, %dma_wait3A_439] : memref<16x2xi32, #tpu.memory_space<vmem>> -> memref<1x2xi32, #tpu.memory_space<vmem>>
    %dma_wait3A_441 = tpu.memref_squeeze %dma_wait3A_440 : memref<1x2xi32, #tpu.memory_space<vmem>> -> memref<2xi32, #tpu.memory_space<vmem>>
    %dma_wait3A_442 = arith.constant 0 : i32
    %dma_wait3A_443 = arith.constant 0 : i32
    %dma_wait3A_444 = arith.constant 0 : i32
    %dma_wait3A_445 = tpu.memref_slice %arg5[%dma_wait3A_442, %dma_wait3A_443, %dma_wait3A_444] : memref<4096x64x256xf32, #tpu.memory_space<hbm>> -> memref<4096x64x256xf32, #tpu.memory_space<hbm>>
    tpu.wait_indirect_dma semaphore(%arg15 : memref<!tpu.dma_semaphore, #tpu.memory_space<semaphore_mem>>) src(%dma_wait3A_445 : memref<4096x64x256xf32, #tpu.memory_space<hbm>>) dst(%dma_wait3A_438 : memref<2x64x256xf32, #tpu.memory_space<vmem>>)
    %add3A_446 = arith.constant 12 : i32
    %add3A_447 = arith.addi %mul3A_2, %add3A_446 : i32
    %dma_start3A_448 = arith.constant 0 : i32
    %dma_start3A_449 = arith.constant 0 : i32
    %dma_start3A_450 = arith.constant 0 : i32
    %dma_start3A_451 = arith.constant 0 : i32
    %dma_start3A_452 = tpu.memref_slice %arg13[%dma_start3A_448, %dma_start3A_449, %dma_start3A_450, %dma_start3A_451] : memref<3x2x64x256xf32, #tpu.memory_space<vmem>> -> memref<1x2x64x256xf32, #tpu.memory_space<vmem>>
    %dma_start3A_453 = tpu.memref_squeeze %dma_start3A_452 : memref<1x2x64x256xf32, #tpu.memory_space<vmem>> -> memref<2x64x256xf32, #tpu.memory_space<vmem>>
    %dma_start3A_454 = arith.constant 0 : i32
    %dma_start3A_455 = arith.constant 0 : i32
    %dma_start3A_456 = tpu.memref_slice %arg8[%add3A_447, %dma_start3A_454, %dma_start3A_455] : memref<1024x64x256xf32, #tpu.memory_space<hbm>> -> memref<2x64x256xf32, #tpu.memory_space<hbm>>
    %dma_start3A_457 = arith.constant 0 : i32
    %dma_start3A_458 = arith.constant 0 : i32
    %dma_start3A_459 = tpu.memref_slice %arg8[%add3A_447, %dma_start3A_457, %dma_start3A_458] : memref<1024x64x256xf32, #tpu.memory_space<hbm>> -> memref<2x64x256xf32, #tpu.memory_space<hbm>>
    %dma_start3A_460 = arith.constant 0 : i32
    %dma_start3A_461 = arith.constant 0 : i32
    %dma_start3A_462 = arith.constant 0 : i32
    %dma_start3A_463 = tpu.memref_slice %arg13[%dma_start3A_448, %dma_start3A_460, %dma_start3A_461, %dma_start3A_462] : memref<3x2x64x256xf32, #tpu.memory_space<vmem>> -> memref<1x2x64x256xf32, #tpu.memory_space<vmem>>
    %dma_start3A_464 = tpu.memref_squeeze %dma_start3A_463 : memref<1x2x64x256xf32, #tpu.memory_space<vmem>> -> memref<2x64x256xf32, #tpu.memory_space<vmem>>
    tpu.enqueue_dma source(%dma_start3A_464 : memref<2x64x256xf32, #tpu.memory_space<vmem>>) target(%dma_start3A_459 : memref<2x64x256xf32, #tpu.memory_space<hbm>>) target_semaphore(%arg16 : memref<!tpu.dma_semaphore, #tpu.memory_space<semaphore_mem>>)
    %dma_wait3A_465 = arith.constant 2 : i32
    %dma_wait3A_466 = arith.constant 0 : i32
    %dma_wait3A_467 = arith.constant 0 : i32
    %dma_wait3A_468 = arith.constant 0 : i32
    %dma_wait3A_469 = tpu.memref_slice %arg13[%dma_wait3A_465, %dma_wait3A_466, %dma_wait3A_467, %dma_wait3A_468] : memref<3x2x64x256xf32, #tpu.memory_space<vmem>> -> memref<1x2x64x256xf32, #tpu.memory_space<vmem>>
    %dma_wait3A_470 = tpu.memref_squeeze %dma_wait3A_469 : memref<1x2x64x256xf32, #tpu.memory_space<vmem>> -> memref<2x64x256xf32, #tpu.memory_space<vmem>>
    %dma_wait3A_471 = arith.constant 0 : i32
    %dma_wait3A_472 = arith.constant 0 : i32
    %dma_wait3A_473 = tpu.memref_slice %arg8[%add3A_383, %dma_wait3A_471, %dma_wait3A_472] : memref<1024x64x256xf32, #tpu.memory_space<hbm>> -> memref<2x64x256xf32, #tpu.memory_space<hbm>>
    %dma_wait3A_474 = arith.constant 0 : i32
    %dma_wait3A_475 = arith.constant 0 : i32
    %dma_wait3A_476 = tpu.memref_slice %arg8[%add3A_383, %dma_wait3A_474, %dma_wait3A_475] : memref<1024x64x256xf32, #tpu.memory_space<hbm>> -> memref<2x64x256xf32, #tpu.memory_space<hbm>>
    %dma_wait3A_477 = arith.constant 0 : i32
    %dma_wait3A_478 = arith.constant 0 : i32
    %dma_wait3A_479 = arith.constant 0 : i32
    %dma_wait3A_480 = tpu.memref_slice %arg13[%dma_wait3A_465, %dma_wait3A_477, %dma_wait3A_478, %dma_wait3A_479] : memref<3x2x64x256xf32, #tpu.memory_space<vmem>> -> memref<1x2x64x256xf32, #tpu.memory_space<vmem>>
    %dma_wait3A_481 = tpu.memref_squeeze %dma_wait3A_480 : memref<1x2x64x256xf32, #tpu.memory_space<vmem>> -> memref<2x64x256xf32, #tpu.memory_space<vmem>>
    tpu.wait_dma2 semaphore(%arg16 : memref<!tpu.dma_semaphore, #tpu.memory_space<semaphore_mem>>) src(%dma_wait3A_481 : memref<2x64x256xf32, #tpu.memory_space<vmem>>) dst(%dma_wait3A_476 : memref<2x64x256xf32, #tpu.memory_space<hbm>>)
    %dma_start3A_482 = arith.constant 8 : i32
    %dma_start3A_483 = arith.constant 2 : i32
    %dma_start3A_484 = arith.constant 0 : i32
    %dma_start3A_485 = arith.constant 0 : i32
    %dma_start3A_486 = arith.constant 0 : i32
    %dma_start3A_487 = tpu.memref_slice %arg13[%dma_start3A_483, %dma_start3A_484, %dma_start3A_485, %dma_start3A_486] : memref<3x2x64x256xf32, #tpu.memory_space<vmem>> -> memref<1x2x64x256xf32, #tpu.memory_space<vmem>>
    %dma_start3A_488 = tpu.memref_squeeze %dma_start3A_487 : memref<1x2x64x256xf32, #tpu.memory_space<vmem>> -> memref<2x64x256xf32, #tpu.memory_space<vmem>>
    %dma_start3A_489 = arith.constant 0 : i32
    %dma_start3A_490 = tpu.memref_slice %arg11[%dma_start3A_482, %dma_start3A_489] : memref<16x2xi32, #tpu.memory_space<vmem>> -> memref<1x2xi32, #tpu.memory_space<vmem>>
    %dma_start3A_491 = tpu.memref_squeeze %dma_start3A_490 : memref<1x2xi32, #tpu.memory_space<vmem>> -> memref<2xi32, #tpu.memory_space<vmem>>
    %dma_start3A_492 = arith.constant 0 : i32
    %dma_start3A_493 = arith.constant 0 : i32
    %dma_start3A_494 = arith.constant 0 : i32
    %dma_start3A_495 = tpu.memref_slice %arg5[%dma_start3A_492, %dma_start3A_493, %dma_start3A_494] : memref<4096x64x256xf32, #tpu.memory_space<hbm>> -> memref<4096x64x256xf32, #tpu.memory_space<hbm>>
    tpu.enqueue_indirect_dma source(%dma_start3A_495 : memref<4096x64x256xf32, #tpu.memory_space<hbm>>) target(%dma_start3A_488 : memref<2x64x256xf32, #tpu.memory_space<vmem>>) offsets(%dma_start3A_491 : memref<2xi32, #tpu.memory_space<vmem>>) semaphore(%arg15 : memref<!tpu.dma_semaphore, #tpu.memory_space<semaphore_mem>>)
    %dma_wait3A_496 = arith.constant 7 : i32
    %dma_wait3A_497 = arith.constant 1 : i32
    %dma_wait3A_498 = arith.constant 0 : i32
    %dma_wait3A_499 = arith.constant 0 : i32
    %dma_wait3A_500 = arith.constant 0 : i32
    %dma_wait3A_501 = tpu.memref_slice %arg13[%dma_wait3A_497, %dma_wait3A_498, %dma_wait3A_499, %dma_wait3A_500] : memref<3x2x64x256xf32, #tpu.memory_space<vmem>> -> memref<1x2x64x256xf32, #tpu.memory_space<vmem>>
    %dma_wait3A_502 = tpu.memref_squeeze %dma_wait3A_501 : memref<1x2x64x256xf32, #tpu.memory_space<vmem>> -> memref<2x64x256xf32, #tpu.memory_space<vmem>>
    %dma_wait3A_503 = arith.constant 0 : i32
    %dma_wait3A_504 = tpu.memref_slice %arg11[%dma_wait3A_496, %dma_wait3A_503] : memref<16x2xi32, #tpu.memory_space<vmem>> -> memref<1x2xi32, #tpu.memory_space<vmem>>
    %dma_wait3A_505 = tpu.memref_squeeze %dma_wait3A_504 : memref<1x2xi32, #tpu.memory_space<vmem>> -> memref<2xi32, #tpu.memory_space<vmem>>
    %dma_wait3A_506 = arith.constant 0 : i32
    %dma_wait3A_507 = arith.constant 0 : i32
    %dma_wait3A_508 = arith.constant 0 : i32
    %dma_wait3A_509 = tpu.memref_slice %arg5[%dma_wait3A_506, %dma_wait3A_507, %dma_wait3A_508] : memref<4096x64x256xf32, #tpu.memory_space<hbm>> -> memref<4096x64x256xf32, #tpu.memory_space<hbm>>
    tpu.wait_indirect_dma semaphore(%arg15 : memref<!tpu.dma_semaphore, #tpu.memory_space<semaphore_mem>>) src(%dma_wait3A_509 : memref<4096x64x256xf32, #tpu.memory_space<hbm>>) dst(%dma_wait3A_502 : memref<2x64x256xf32, #tpu.memory_space<vmem>>)
    %add3A_510 = arith.constant 14 : i32
    %add3A_511 = arith.addi %mul3A_2, %add3A_510 : i32
    %dma_start3A_512 = arith.constant 1 : i32
    %dma_start3A_513 = arith.constant 0 : i32
    %dma_start3A_514 = arith.constant 0 : i32
    %dma_start3A_515 = arith.constant 0 : i32
    %dma_start3A_516 = tpu.memref_slice %arg13[%dma_start3A_512, %dma_start3A_513, %dma_start3A_514, %dma_start3A_515] : memref<3x2x64x256xf32, #tpu.memory_space<vmem>> -> memref<1x2x64x256xf32, #tpu.memory_space<vmem>>
    %dma_start3A_517 = tpu.memref_squeeze %dma_start3A_516 : memref<1x2x64x256xf32, #tpu.memory_space<vmem>> -> memref<2x64x256xf32, #tpu.memory_space<vmem>>
    %dma_start3A_518 = arith.constant 0 : i32
    %dma_start3A_519 = arith.constant 0 : i32
    %dma_start3A_520 = tpu.memref_slice %arg8[%add3A_511, %dma_start3A_518, %dma_start3A_519] : memref<1024x64x256xf32, #tpu.memory_space<hbm>> -> memref<2x64x256xf32, #tpu.memory_space<hbm>>
    %dma_start3A_521 = arith.constant 0 : i32
    %dma_start3A_522 = arith.constant 0 : i32
    %dma_start3A_523 = tpu.memref_slice %arg8[%add3A_511, %dma_start3A_521, %dma_start3A_522] : memref<1024x64x256xf32, #tpu.memory_space<hbm>> -> memref<2x64x256xf32, #tpu.memory_space<hbm>>
    %dma_start3A_524 = arith.constant 0 : i32
    %dma_start3A_525 = arith.constant 0 : i32
    %dma_start3A_526 = arith.constant 0 : i32
    %dma_start3A_527 = tpu.memref_slice %arg13[%dma_start3A_512, %dma_start3A_524, %dma_start3A_525, %dma_start3A_526] : memref<3x2x64x256xf32, #tpu.memory_space<vmem>> -> memref<1x2x64x256xf32, #tpu.memory_space<vmem>>
    %dma_start3A_528 = tpu.memref_squeeze %dma_start3A_527 : memref<1x2x64x256xf32, #tpu.memory_space<vmem>> -> memref<2x64x256xf32, #tpu.memory_space<vmem>>
    tpu.enqueue_dma source(%dma_start3A_528 : memref<2x64x256xf32, #tpu.memory_space<vmem>>) target(%dma_start3A_523 : memref<2x64x256xf32, #tpu.memory_space<hbm>>) target_semaphore(%arg16 : memref<!tpu.dma_semaphore, #tpu.memory_space<semaphore_mem>>)
    %dma_wait3A_529 = arith.constant 0 : i32
    %dma_wait3A_530 = arith.constant 0 : i32
    %dma_wait3A_531 = arith.constant 0 : i32
    %dma_wait3A_532 = arith.constant 0 : i32
    %dma_wait3A_533 = tpu.memref_slice %arg13[%dma_wait3A_529, %dma_wait3A_530, %dma_wait3A_531, %dma_wait3A_532] : memref<3x2x64x256xf32, #tpu.memory_space<vmem>> -> memref<1x2x64x256xf32, #tpu.memory_space<vmem>>
    %dma_wait3A_534 = tpu.memref_squeeze %dma_wait3A_533 : memref<1x2x64x256xf32, #tpu.memory_space<vmem>> -> memref<2x64x256xf32, #tpu.memory_space<vmem>>
    %dma_wait3A_535 = arith.constant 0 : i32
    %dma_wait3A_536 = arith.constant 0 : i32
    %dma_wait3A_537 = tpu.memref_slice %arg8[%add3A_447, %dma_wait3A_535, %dma_wait3A_536] : memref<1024x64x256xf32, #tpu.memory_space<hbm>> -> memref<2x64x256xf32, #tpu.memory_space<hbm>>
    %dma_wait3A_538 = arith.constant 0 : i32
    %dma_wait3A_539 = arith.constant 0 : i32
    %dma_wait3A_540 = tpu.memref_slice %arg8[%add3A_447, %dma_wait3A_538, %dma_wait3A_539] : memref<1024x64x256xf32, #tpu.memory_space<hbm>> -> memref<2x64x256xf32, #tpu.memory_space<hbm>>
    %dma_wait3A_541 = arith.constant 0 : i32
    %dma_wait3A_542 = arith.constant 0 : i32
    %dma_wait3A_543 = arith.constant 0 : i32
    %dma_wait3A_544 = tpu.memref_slice %arg13[%dma_wait3A_529, %dma_wait3A_541, %dma_wait3A_542, %dma_wait3A_543] : memref<3x2x64x256xf32, #tpu.memory_space<vmem>> -> memref<1x2x64x256xf32, #tpu.memory_space<vmem>>
    %dma_wait3A_545 = tpu.memref_squeeze %dma_wait3A_544 : memref<1x2x64x256xf32, #tpu.memory_space<vmem>> -> memref<2x64x256xf32, #tpu.memory_space<vmem>>
    tpu.wait_dma2 semaphore(%arg16 : memref<!tpu.dma_semaphore, #tpu.memory_space<semaphore_mem>>) src(%dma_wait3A_545 : memref<2x64x256xf32, #tpu.memory_space<vmem>>) dst(%dma_wait3A_540 : memref<2x64x256xf32, #tpu.memory_space<hbm>>)
    %dma_start3A_546 = arith.constant 9 : i32
    %dma_start3A_547 = arith.constant 0 : i32
    %dma_start3A_548 = arith.constant 0 : i32
    %dma_start3A_549 = arith.constant 0 : i32
    %dma_start3A_550 = arith.constant 0 : i32
    %dma_start3A_551 = tpu.memref_slice %arg13[%dma_start3A_547, %dma_start3A_548, %dma_start3A_549, %dma_start3A_550] : memref<3x2x64x256xf32, #tpu.memory_space<vmem>> -> memref<1x2x64x256xf32, #tpu.memory_space<vmem>>
    %dma_start3A_552 = tpu.memref_squeeze %dma_start3A_551 : memref<1x2x64x256xf32, #tpu.memory_space<vmem>> -> memref<2x64x256xf32, #tpu.memory_space<vmem>>
    %dma_start3A_553 = arith.constant 0 : i32
    %dma_start3A_554 = tpu.memref_slice %arg11[%dma_start3A_546, %dma_start3A_553] : memref<16x2xi32, #tpu.memory_space<vmem>> -> memref<1x2xi32, #tpu.memory_space<vmem>>
    %dma_start3A_555 = tpu.memref_squeeze %dma_start3A_554 : memref<1x2xi32, #tpu.memory_space<vmem>> -> memref<2xi32, #tpu.memory_space<vmem>>
    %dma_start3A_556 = arith.constant 0 : i32
    %dma_start3A_557 = arith.constant 0 : i32
    %dma_start3A_558 = arith.constant 0 : i32
    %dma_start3A_559 = tpu.memref_slice %arg5[%dma_start3A_556, %dma_start3A_557, %dma_start3A_558] : memref<4096x64x256xf32, #tpu.memory_space<hbm>> -> memref<4096x64x256xf32, #tpu.memory_space<hbm>>
    tpu.enqueue_indirect_dma source(%dma_start3A_559 : memref<4096x64x256xf32, #tpu.memory_space<hbm>>) target(%dma_start3A_552 : memref<2x64x256xf32, #tpu.memory_space<vmem>>) offsets(%dma_start3A_555 : memref<2xi32, #tpu.memory_space<vmem>>) semaphore(%arg15 : memref<!tpu.dma_semaphore, #tpu.memory_space<semaphore_mem>>)
    %dma_wait3A_560 = arith.constant 8 : i32
    %dma_wait3A_561 = arith.constant 2 : i32
    %dma_wait3A_562 = arith.constant 0 : i32
    %dma_wait3A_563 = arith.constant 0 : i32
    %dma_wait3A_564 = arith.constant 0 : i32
    %dma_wait3A_565 = tpu.memref_slice %arg13[%dma_wait3A_561, %dma_wait3A_562, %dma_wait3A_563, %dma_wait3A_564] : memref<3x2x64x256xf32, #tpu.memory_space<vmem>> -> memref<1x2x64x256xf32, #tpu.memory_space<vmem>>
    %dma_wait3A_566 = tpu.memref_squeeze %dma_wait3A_565 : memref<1x2x64x256xf32, #tpu.memory_space<vmem>> -> memref<2x64x256xf32, #tpu.memory_space<vmem>>
    %dma_wait3A_567 = arith.constant 0 : i32
    %dma_wait3A_568 = tpu.memref_slice %arg11[%dma_wait3A_560, %dma_wait3A_567] : memref<16x2xi32, #tpu.memory_space<vmem>> -> memref<1x2xi32, #tpu.memory_space<vmem>>
    %dma_wait3A_569 = tpu.memref_squeeze %dma_wait3A_568 : memref<1x2xi32, #tpu.memory_space<vmem>> -> memref<2xi32, #tpu.memory_space<vmem>>
    %dma_wait3A_570 = arith.constant 0 : i32
    %dma_wait3A_571 = arith.constant 0 : i32
    %dma_wait3A_572 = arith.constant 0 : i32
    %dma_wait3A_573 = tpu.memref_slice %arg5[%dma_wait3A_570, %dma_wait3A_571, %dma_wait3A_572] : memref<4096x64x256xf32, #tpu.memory_space<hbm>> -> memref<4096x64x256xf32, #tpu.memory_space<hbm>>
    tpu.wait_indirect_dma semaphore(%arg15 : memref<!tpu.dma_semaphore, #tpu.memory_space<semaphore_mem>>) src(%dma_wait3A_573 : memref<4096x64x256xf32, #tpu.memory_space<hbm>>) dst(%dma_wait3A_566 : memref<2x64x256xf32, #tpu.memory_space<vmem>>)
    %add3A_574 = arith.constant 16 : i32
    %add3A_575 = arith.addi %mul3A_2, %add3A_574 : i32
    %dma_start3A_576 = arith.constant 2 : i32
    %dma_start3A_577 = arith.constant 0 : i32
    %dma_start3A_578 = arith.constant 0 : i32
    %dma_start3A_579 = arith.constant 0 : i32
    %dma_start3A_580 = tpu.memref_slice %arg13[%dma_start3A_576, %dma_start3A_577, %dma_start3A_578, %dma_start3A_579] : memref<3x2x64x256xf32, #tpu.memory_space<vmem>> -> memref<1x2x64x256xf32, #tpu.memory_space<vmem>>
    %dma_start3A_581 = tpu.memref_squeeze %dma_start3A_580 : memref<1x2x64x256xf32, #tpu.memory_space<vmem>> -> memref<2x64x256xf32, #tpu.memory_space<vmem>>
    %dma_start3A_582 = arith.constant 0 : i32
    %dma_start3A_583 = arith.constant 0 : i32
    %dma_start3A_584 = tpu.memref_slice %arg8[%add3A_575, %dma_start3A_582, %dma_start3A_583] : memref<1024x64x256xf32, #tpu.memory_space<hbm>> -> memref<2x64x256xf32, #tpu.memory_space<hbm>>
    %dma_start3A_585 = arith.constant 0 : i32
    %dma_start3A_586 = arith.constant 0 : i32
    %dma_start3A_587 = tpu.memref_slice %arg8[%add3A_575, %dma_start3A_585, %dma_start3A_586] : memref<1024x64x256xf32, #tpu.memory_space<hbm>> -> memref<2x64x256xf32, #tpu.memory_space<hbm>>
    %dma_start3A_588 = arith.constant 0 : i32
    %dma_start3A_589 = arith.constant 0 : i32
    %dma_start3A_590 = arith.constant 0 : i32
    %dma_start3A_591 = tpu.memref_slice %arg13[%dma_start3A_576, %dma_start3A_588, %dma_start3A_589, %dma_start3A_590] : memref<3x2x64x256xf32, #tpu.memory_space<vmem>> -> memref<1x2x64x256xf32, #tpu.memory_space<vmem>>
    %dma_start3A_592 = tpu.memref_squeeze %dma_start3A_591 : memref<1x2x64x256xf32, #tpu.memory_space<vmem>> -> memref<2x64x256xf32, #tpu.memory_space<vmem>>
    tpu.enqueue_dma source(%dma_start3A_592 : memref<2x64x256xf32, #tpu.memory_space<vmem>>) target(%dma_start3A_587 : memref<2x64x256xf32, #tpu.memory_space<hbm>>) target_semaphore(%arg16 : memref<!tpu.dma_semaphore, #tpu.memory_space<semaphore_mem>>)
    %dma_wait3A_593 = arith.constant 1 : i32
    %dma_wait3A_594 = arith.constant 0 : i32
    %dma_wait3A_595 = arith.constant 0 : i32
    %dma_wait3A_596 = arith.constant 0 : i32
    %dma_wait3A_597 = tpu.memref_slice %arg13[%dma_wait3A_593, %dma_wait3A_594, %dma_wait3A_595, %dma_wait3A_596] : memref<3x2x64x256xf32, #tpu.memory_space<vmem>> -> memref<1x2x64x256xf32, #tpu.memory_space<vmem>>
    %dma_wait3A_598 = tpu.memref_squeeze %dma_wait3A_597 : memref<1x2x64x256xf32, #tpu.memory_space<vmem>> -> memref<2x64x256xf32, #tpu.memory_space<vmem>>
    %dma_wait3A_599 = arith.constant 0 : i32
    %dma_wait3A_600 = arith.constant 0 : i32
    %dma_wait3A_601 = tpu.memref_slice %arg8[%add3A_511, %dma_wait3A_599, %dma_wait3A_600] : memref<1024x64x256xf32, #tpu.memory_space<hbm>> -> memref<2x64x256xf32, #tpu.memory_space<hbm>>
    %dma_wait3A_602 = arith.constant 0 : i32
    %dma_wait3A_603 = arith.constant 0 : i32
    %dma_wait3A_604 = tpu.memref_slice %arg8[%add3A_511, %dma_wait3A_602, %dma_wait3A_603] : memref<1024x64x256xf32, #tpu.memory_space<hbm>> -> memref<2x64x256xf32, #tpu.memory_space<hbm>>
    %dma_wait3A_605 = arith.constant 0 : i32
    %dma_wait3A_606 = arith.constant 0 : i32
    %dma_wait3A_607 = arith.constant 0 : i32
    %dma_wait3A_608 = tpu.memref_slice %arg13[%dma_wait3A_593, %dma_wait3A_605, %dma_wait3A_606, %dma_wait3A_607] : memref<3x2x64x256xf32, #tpu.memory_space<vmem>> -> memref<1x2x64x256xf32, #tpu.memory_space<vmem>>
    %dma_wait3A_609 = tpu.memref_squeeze %dma_wait3A_608 : memref<1x2x64x256xf32, #tpu.memory_space<vmem>> -> memref<2x64x256xf32, #tpu.memory_space<vmem>>
    tpu.wait_dma2 semaphore(%arg16 : memref<!tpu.dma_semaphore, #tpu.memory_space<semaphore_mem>>) src(%dma_wait3A_609 : memref<2x64x256xf32, #tpu.memory_space<vmem>>) dst(%dma_wait3A_604 : memref<2x64x256xf32, #tpu.memory_space<hbm>>)
    %dma_start3A_610 = arith.constant 10 : i32
    %dma_start3A_611 = arith.constant 1 : i32
    %dma_start3A_612 = arith.constant 0 : i32
    %dma_start3A_613 = arith.constant 0 : i32
    %dma_start3A_614 = arith.constant 0 : i32
    %dma_start3A_615 = tpu.memref_slice %arg13[%dma_start3A_611, %dma_start3A_612, %dma_start3A_613, %dma_start3A_614] : memref<3x2x64x256xf32, #tpu.memory_space<vmem>> -> memref<1x2x64x256xf32, #tpu.memory_space<vmem>>
    %dma_start3A_616 = tpu.memref_squeeze %dma_start3A_615 : memref<1x2x64x256xf32, #tpu.memory_space<vmem>> -> memref<2x64x256xf32, #tpu.memory_space<vmem>>
    %dma_start3A_617 = arith.constant 0 : i32
    %dma_start3A_618 = tpu.memref_slice %arg11[%dma_start3A_610, %dma_start3A_617] : memref<16x2xi32, #tpu.memory_space<vmem>> -> memref<1x2xi32, #tpu.memory_space<vmem>>
    %dma_start3A_619 = tpu.memref_squeeze %dma_start3A_618 : memref<1x2xi32, #tpu.memory_space<vmem>> -> memref<2xi32, #tpu.memory_space<vmem>>
    %dma_start3A_620 = arith.constant 0 : i32
    %dma_start3A_621 = arith.constant 0 : i32
    %dma_start3A_622 = arith.constant 0 : i32
    %dma_start3A_623 = tpu.memref_slice %arg5[%dma_start3A_620, %dma_start3A_621, %dma_start3A_622] : memref<4096x64x256xf32, #tpu.memory_space<hbm>> -> memref<4096x64x256xf32, #tpu.memory_space<hbm>>
    tpu.enqueue_indirect_dma source(%dma_start3A_623 : memref<4096x64x256xf32, #tpu.memory_space<hbm>>) target(%dma_start3A_616 : memref<2x64x256xf32, #tpu.memory_space<vmem>>) offsets(%dma_start3A_619 : memref<2xi32, #tpu.memory_space<vmem>>) semaphore(%arg15 : memref<!tpu.dma_semaphore, #tpu.memory_space<semaphore_mem>>)
    %dma_wait3A_624 = arith.constant 9 : i32
    %dma_wait3A_625 = arith.constant 0 : i32
    %dma_wait3A_626 = arith.constant 0 : i32
    %dma_wait3A_627 = arith.constant 0 : i32
    %dma_wait3A_628 = arith.constant 0 : i32
    %dma_wait3A_629 = tpu.memref_slice %arg13[%dma_wait3A_625, %dma_wait3A_626, %dma_wait3A_627, %dma_wait3A_628] : memref<3x2x64x256xf32, #tpu.memory_space<vmem>> -> memref<1x2x64x256xf32, #tpu.memory_space<vmem>>
    %dma_wait3A_630 = tpu.memref_squeeze %dma_wait3A_629 : memref<1x2x64x256xf32, #tpu.memory_space<vmem>> -> memref<2x64x256xf32, #tpu.memory_space<vmem>>
    %dma_wait3A_631 = arith.constant 0 : i32
    %dma_wait3A_632 = tpu.memref_slice %arg11[%dma_wait3A_624, %dma_wait3A_631] : memref<16x2xi32, #tpu.memory_space<vmem>> -> memref<1x2xi32, #tpu.memory_space<vmem>>
    %dma_wait3A_633 = tpu.memref_squeeze %dma_wait3A_632 : memref<1x2xi32, #tpu.memory_space<vmem>> -> memref<2xi32, #tpu.memory_space<vmem>>
    %dma_wait3A_634 = arith.constant 0 : i32
    %dma_wait3A_635 = arith.constant 0 : i32
    %dma_wait3A_636 = arith.constant 0 : i32
    %dma_wait3A_637 = tpu.memref_slice %arg5[%dma_wait3A_634, %dma_wait3A_635, %dma_wait3A_636] : memref<4096x64x256xf32, #tpu.memory_space<hbm>> -> memref<4096x64x256xf32, #tpu.memory_space<hbm>>
    tpu.wait_indirect_dma semaphore(%arg15 : memref<!tpu.dma_semaphore, #tpu.memory_space<semaphore_mem>>) src(%dma_wait3A_637 : memref<4096x64x256xf32, #tpu.memory_space<hbm>>) dst(%dma_wait3A_630 : memref<2x64x256xf32, #tpu.memory_space<vmem>>)
    %add3A_638 = arith.constant 18 : i32
    %add3A_639 = arith.addi %mul3A_2, %add3A_638 : i32
    %dma_start3A_640 = arith.constant 0 : i32
    %dma_start3A_641 = arith.constant 0 : i32
    %dma_start3A_642 = arith.constant 0 : i32
    %dma_start3A_643 = arith.constant 0 : i32
    %dma_start3A_644 = tpu.memref_slice %arg13[%dma_start3A_640, %dma_start3A_641, %dma_start3A_642, %dma_start3A_643] : memref<3x2x64x256xf32, #tpu.memory_space<vmem>> -> memref<1x2x64x256xf32, #tpu.memory_space<vmem>>
    %dma_start3A_645 = tpu.memref_squeeze %dma_start3A_644 : memref<1x2x64x256xf32, #tpu.memory_space<vmem>> -> memref<2x64x256xf32, #tpu.memory_space<vmem>>
    %dma_start3A_646 = arith.constant 0 : i32
    %dma_start3A_647 = arith.constant 0 : i32
    %dma_start3A_648 = tpu.memref_slice %arg8[%add3A_639, %dma_start3A_646, %dma_start3A_647] : memref<1024x64x256xf32, #tpu.memory_space<hbm>> -> memref<2x64x256xf32, #tpu.memory_space<hbm>>
    %dma_start3A_649 = arith.constant 0 : i32
    %dma_start3A_650 = arith.constant 0 : i32
    %dma_start3A_651 = tpu.memref_slice %arg8[%add3A_639, %dma_start3A_649, %dma_start3A_650] : memref<1024x64x256xf32, #tpu.memory_space<hbm>> -> memref<2x64x256xf32, #tpu.memory_space<hbm>>
    %dma_start3A_652 = arith.constant 0 : i32
    %dma_start3A_653 = arith.constant 0 : i32
    %dma_start3A_654 = arith.constant 0 : i32
    %dma_start3A_655 = tpu.memref_slice %arg13[%dma_start3A_640, %dma_start3A_652, %dma_start3A_653, %dma_start3A_654] : memref<3x2x64x256xf32, #tpu.memory_space<vmem>> -> memref<1x2x64x256xf32, #tpu.memory_space<vmem>>
    %dma_start3A_656 = tpu.memref_squeeze %dma_start3A_655 : memref<1x2x64x256xf32, #tpu.memory_space<vmem>> -> memref<2x64x256xf32, #tpu.memory_space<vmem>>
    tpu.enqueue_dma source(%dma_start3A_656 : memref<2x64x256xf32, #tpu.memory_space<vmem>>) target(%dma_start3A_651 : memref<2x64x256xf32, #tpu.memory_space<hbm>>) target_semaphore(%arg16 : memref<!tpu.dma_semaphore, #tpu.memory_space<semaphore_mem>>)
    %dma_wait3A_657 = arith.constant 2 : i32
    %dma_wait3A_658 = arith.constant 0 : i32
    %dma_wait3A_659 = arith.constant 0 : i32
    %dma_wait3A_660 = arith.constant 0 : i32
    %dma_wait3A_661 = tpu.memref_slice %arg13[%dma_wait3A_657, %dma_wait3A_658, %dma_wait3A_659, %dma_wait3A_660] : memref<3x2x64x256xf32, #tpu.memory_space<vmem>> -> memref<1x2x64x256xf32, #tpu.memory_space<vmem>>
    %dma_wait3A_662 = tpu.memref_squeeze %dma_wait3A_661 : memref<1x2x64x256xf32, #tpu.memory_space<vmem>> -> memref<2x64x256xf32, #tpu.memory_space<vmem>>
    %dma_wait3A_663 = arith.constant 0 : i32
    %dma_wait3A_664 = arith.constant 0 : i32
    %dma_wait3A_665 = tpu.memref_slice %arg8[%add3A_575, %dma_wait3A_663, %dma_wait3A_664] : memref<1024x64x256xf32, #tpu.memory_space<hbm>> -> memref<2x64x256xf32, #tpu.memory_space<hbm>>
    %dma_wait3A_666 = arith.constant 0 : i32
    %dma_wait3A_667 = arith.constant 0 : i32
    %dma_wait3A_668 = tpu.memref_slice %arg8[%add3A_575, %dma_wait3A_666, %dma_wait3A_667] : memref<1024x64x256xf32, #tpu.memory_space<hbm>> -> memref<2x64x256xf32, #tpu.memory_space<hbm>>
    %dma_wait3A_669 = arith.constant 0 : i32
    %dma_wait3A_670 = arith.constant 0 : i32
    %dma_wait3A_671 = arith.constant 0 : i32
    %dma_wait3A_672 = tpu.memref_slice %arg13[%dma_wait3A_657, %dma_wait3A_669, %dma_wait3A_670, %dma_wait3A_671] : memref<3x2x64x256xf32, #tpu.memory_space<vmem>> -> memref<1x2x64x256xf32, #tpu.memory_space<vmem>>
    %dma_wait3A_673 = tpu.memref_squeeze %dma_wait3A_672 : memref<1x2x64x256xf32, #tpu.memory_space<vmem>> -> memref<2x64x256xf32, #tpu.memory_space<vmem>>
    tpu.wait_dma2 semaphore(%arg16 : memref<!tpu.dma_semaphore, #tpu.memory_space<semaphore_mem>>) src(%dma_wait3A_673 : memref<2x64x256xf32, #tpu.memory_space<vmem>>) dst(%dma_wait3A_668 : memref<2x64x256xf32, #tpu.memory_space<hbm>>)
    %dma_start3A_674 = arith.constant 11 : i32
    %dma_start3A_675 = arith.constant 2 : i32
    %dma_start3A_676 = arith.constant 0 : i32
    %dma_start3A_677 = arith.constant 0 : i32
    %dma_start3A_678 = arith.constant 0 : i32
    %dma_start3A_679 = tpu.memref_slice %arg13[%dma_start3A_675, %dma_start3A_676, %dma_start3A_677, %dma_start3A_678] : memref<3x2x64x256xf32, #tpu.memory_space<vmem>> -> memref<1x2x64x256xf32, #tpu.memory_space<vmem>>
    %dma_start3A_680 = tpu.memref_squeeze %dma_start3A_679 : memref<1x2x64x256xf32, #tpu.memory_space<vmem>> -> memref<2x64x256xf32, #tpu.memory_space<vmem>>
    %dma_start3A_681 = arith.constant 0 : i32
    %dma_start3A_682 = tpu.memref_slice %arg11[%dma_start3A_674, %dma_start3A_681] : memref<16x2xi32, #tpu.memory_space<vmem>> -> memref<1x2xi32, #tpu.memory_space<vmem>>
    %dma_start3A_683 = tpu.memref_squeeze %dma_start3A_682 : memref<1x2xi32, #tpu.memory_space<vmem>> -> memref<2xi32, #tpu.memory_space<vmem>>
    %dma_start3A_684 = arith.constant 0 : i32
    %dma_start3A_685 = arith.constant 0 : i32
    %dma_start3A_686 = arith.constant 0 : i32
    %dma_start3A_687 = tpu.memref_slice %arg5[%dma_start3A_684, %dma_start3A_685, %dma_start3A_686] : memref<4096x64x256xf32, #tpu.memory_space<hbm>> -> memref<4096x64x256xf32, #tpu.memory_space<hbm>>
    tpu.enqueue_indirect_dma source(%dma_start3A_687 : memref<4096x64x256xf32, #tpu.memory_space<hbm>>) target(%dma_start3A_680 : memref<2x64x256xf32, #tpu.memory_space<vmem>>) offsets(%dma_start3A_683 : memref<2xi32, #tpu.memory_space<vmem>>) semaphore(%arg15 : memref<!tpu.dma_semaphore, #tpu.memory_space<semaphore_mem>>)
    %dma_wait3A_688 = arith.constant 10 : i32
    %dma_wait3A_689 = arith.constant 1 : i32
    %dma_wait3A_690 = arith.constant 0 : i32
    %dma_wait3A_691 = arith.constant 0 : i32
    %dma_wait3A_692 = arith.constant 0 : i32
    %dma_wait3A_693 = tpu.memref_slice %arg13[%dma_wait3A_689, %dma_wait3A_690, %dma_wait3A_691, %dma_wait3A_692] : memref<3x2x64x256xf32, #tpu.memory_space<vmem>> -> memref<1x2x64x256xf32, #tpu.memory_space<vmem>>
    %dma_wait3A_694 = tpu.memref_squeeze %dma_wait3A_693 : memref<1x2x64x256xf32, #tpu.memory_space<vmem>> -> memref<2x64x256xf32, #tpu.memory_space<vmem>>
    %dma_wait3A_695 = arith.constant 0 : i32
    %dma_wait3A_696 = tpu.memref_slice %arg11[%dma_wait3A_688, %dma_wait3A_695] : memref<16x2xi32, #tpu.memory_space<vmem>> -> memref<1x2xi32, #tpu.memory_space<vmem>>
    %dma_wait3A_697 = tpu.memref_squeeze %dma_wait3A_696 : memref<1x2xi32, #tpu.memory_space<vmem>> -> memref<2xi32, #tpu.memory_space<vmem>>
    %dma_wait3A_698 = arith.constant 0 : i32
    %dma_wait3A_699 = arith.constant 0 : i32
    %dma_wait3A_700 = arith.constant 0 : i32
    %dma_wait3A_701 = tpu.memref_slice %arg5[%dma_wait3A_698, %dma_wait3A_699, %dma_wait3A_700] : memref<4096x64x256xf32, #tpu.memory_space<hbm>> -> memref<4096x64x256xf32, #tpu.memory_space<hbm>>
    tpu.wait_indirect_dma semaphore(%arg15 : memref<!tpu.dma_semaphore, #tpu.memory_space<semaphore_mem>>) src(%dma_wait3A_701 : memref<4096x64x256xf32, #tpu.memory_space<hbm>>) dst(%dma_wait3A_694 : memref<2x64x256xf32, #tpu.memory_space<vmem>>)
    %add3A_702 = arith.constant 20 : i32
    %add3A_703 = arith.addi %mul3A_2, %add3A_702 : i32
    %dma_start3A_704 = arith.constant 1 : i32
    %dma_start3A_705 = arith.constant 0 : i32
    %dma_start3A_706 = arith.constant 0 : i32
    %dma_start3A_707 = arith.constant 0 : i32
    %dma_start3A_708 = tpu.memref_slice %arg13[%dma_start3A_704, %dma_start3A_705, %dma_start3A_706, %dma_start3A_707] : memref<3x2x64x256xf32, #tpu.memory_space<vmem>> -> memref<1x2x64x256xf32, #tpu.memory_space<vmem>>
    %dma_start3A_709 = tpu.memref_squeeze %dma_start3A_708 : memref<1x2x64x256xf32, #tpu.memory_space<vmem>> -> memref<2x64x256xf32, #tpu.memory_space<vmem>>
    %dma_start3A_710 = arith.constant 0 : i32
    %dma_start3A_711 = arith.constant 0 : i32
    %dma_start3A_712 = tpu.memref_slice %arg8[%add3A_703, %dma_start3A_710, %dma_start3A_711] : memref<1024x64x256xf32, #tpu.memory_space<hbm>> -> memref<2x64x256xf32, #tpu.memory_space<hbm>>
    %dma_start3A_713 = arith.constant 0 : i32
    %dma_start3A_714 = arith.constant 0 : i32
    %dma_start3A_715 = tpu.memref_slice %arg8[%add3A_703, %dma_start3A_713, %dma_start3A_714] : memref<1024x64x256xf32, #tpu.memory_space<hbm>> -> memref<2x64x256xf32, #tpu.memory_space<hbm>>
    %dma_start3A_716 = arith.constant 0 : i32
    %dma_start3A_717 = arith.constant 0 : i32
    %dma_start3A_718 = arith.constant 0 : i32
    %dma_start3A_719 = tpu.memref_slice %arg13[%dma_start3A_704, %dma_start3A_716, %dma_start3A_717, %dma_start3A_718] : memref<3x2x64x256xf32, #tpu.memory_space<vmem>> -> memref<1x2x64x256xf32, #tpu.memory_space<vmem>>
    %dma_start3A_720 = tpu.memref_squeeze %dma_start3A_719 : memref<1x2x64x256xf32, #tpu.memory_space<vmem>> -> memref<2x64x256xf32, #tpu.memory_space<vmem>>
    tpu.enqueue_dma source(%dma_start3A_720 : memref<2x64x256xf32, #tpu.memory_space<vmem>>) target(%dma_start3A_715 : memref<2x64x256xf32, #tpu.memory_space<hbm>>) target_semaphore(%arg16 : memref<!tpu.dma_semaphore, #tpu.memory_space<semaphore_mem>>)
    %dma_wait3A_721 = arith.constant 0 : i32
    %dma_wait3A_722 = arith.constant 0 : i32
    %dma_wait3A_723 = arith.constant 0 : i32
    %dma_wait3A_724 = arith.constant 0 : i32
    %dma_wait3A_725 = tpu.memref_slice %arg13[%dma_wait3A_721, %dma_wait3A_722, %dma_wait3A_723, %dma_wait3A_724] : memref<3x2x64x256xf32, #tpu.memory_space<vmem>> -> memref<1x2x64x256xf32, #tpu.memory_space<vmem>>
    %dma_wait3A_726 = tpu.memref_squeeze %dma_wait3A_725 : memref<1x2x64x256xf32, #tpu.memory_space<vmem>> -> memref<2x64x256xf32, #tpu.memory_space<vmem>>
    %dma_wait3A_727 = arith.constant 0 : i32
    %dma_wait3A_728 = arith.constant 0 : i32
    %dma_wait3A_729 = tpu.memref_slice %arg8[%add3A_639, %dma_wait3A_727, %dma_wait3A_728] : memref<1024x64x256xf32, #tpu.memory_space<hbm>> -> memref<2x64x256xf32, #tpu.memory_space<hbm>>
    %dma_wait3A_730 = arith.constant 0 : i32
    %dma_wait3A_731 = arith.constant 0 : i32
    %dma_wait3A_732 = tpu.memref_slice %arg8[%add3A_639, %dma_wait3A_730, %dma_wait3A_731] : memref<1024x64x256xf32, #tpu.memory_space<hbm>> -> memref<2x64x256xf32, #tpu.memory_space<hbm>>
    %dma_wait3A_733 = arith.constant 0 : i32
    %dma_wait3A_734 = arith.constant 0 : i32
    %dma_wait3A_735 = arith.constant 0 : i32
    %dma_wait3A_736 = tpu.memref_slice %arg13[%dma_wait3A_721, %dma_wait3A_733, %dma_wait3A_734, %dma_wait3A_735] : memref<3x2x64x256xf32, #tpu.memory_space<vmem>> -> memref<1x2x64x256xf32, #tpu.memory_space<vmem>>
    %dma_wait3A_737 = tpu.memref_squeeze %dma_wait3A_736 : memref<1x2x64x256xf32, #tpu.memory_space<vmem>> -> memref<2x64x256xf32, #tpu.memory_space<vmem>>
    tpu.wait_dma2 semaphore(%arg16 : memref<!tpu.dma_semaphore, #tpu.memory_space<semaphore_mem>>) src(%dma_wait3A_737 : memref<2x64x256xf32, #tpu.memory_space<vmem>>) dst(%dma_wait3A_732 : memref<2x64x256xf32, #tpu.memory_space<hbm>>)
    %dma_start3A_738 = arith.constant 12 : i32
    %dma_start3A_739 = arith.constant 0 : i32
    %dma_start3A_740 = arith.constant 0 : i32
    %dma_start3A_741 = arith.constant 0 : i32
    %dma_start3A_742 = arith.constant 0 : i32
    %dma_start3A_743 = tpu.memref_slice %arg13[%dma_start3A_739, %dma_start3A_740, %dma_start3A_741, %dma_start3A_742] : memref<3x2x64x256xf32, #tpu.memory_space<vmem>> -> memref<1x2x64x256xf32, #tpu.memory_space<vmem>>
    %dma_start3A_744 = tpu.memref_squeeze %dma_start3A_743 : memref<1x2x64x256xf32, #tpu.memory_space<vmem>> -> memref<2x64x256xf32, #tpu.memory_space<vmem>>
    %dma_start3A_745 = arith.constant 0 : i32
    %dma_start3A_746 = tpu.memref_slice %arg11[%dma_start3A_738, %dma_start3A_745] : memref<16x2xi32, #tpu.memory_space<vmem>> -> memref<1x2xi32, #tpu.memory_space<vmem>>
    %dma_start3A_747 = tpu.memref_squeeze %dma_start3A_746 : memref<1x2xi32, #tpu.memory_space<vmem>> -> memref<2xi32, #tpu.memory_space<vmem>>
    %dma_start3A_748 = arith.constant 0 : i32
    %dma_start3A_749 = arith.constant 0 : i32
    %dma_start3A_750 = arith.constant 0 : i32
    %dma_start3A_751 = tpu.memref_slice %arg5[%dma_start3A_748, %dma_start3A_749, %dma_start3A_750] : memref<4096x64x256xf32, #tpu.memory_space<hbm>> -> memref<4096x64x256xf32, #tpu.memory_space<hbm>>
    tpu.enqueue_indirect_dma source(%dma_start3A_751 : memref<4096x64x256xf32, #tpu.memory_space<hbm>>) target(%dma_start3A_744 : memref<2x64x256xf32, #tpu.memory_space<vmem>>) offsets(%dma_start3A_747 : memref<2xi32, #tpu.memory_space<vmem>>) semaphore(%arg15 : memref<!tpu.dma_semaphore, #tpu.memory_space<semaphore_mem>>)
    %dma_wait3A_752 = arith.constant 11 : i32
    %dma_wait3A_753 = arith.constant 2 : i32
    %dma_wait3A_754 = arith.constant 0 : i32
    %dma_wait3A_755 = arith.constant 0 : i32
    %dma_wait3A_756 = arith.constant 0 : i32
    %dma_wait3A_757 = tpu.memref_slice %arg13[%dma_wait3A_753, %dma_wait3A_754, %dma_wait3A_755, %dma_wait3A_756] : memref<3x2x64x256xf32, #tpu.memory_space<vmem>> -> memref<1x2x64x256xf32, #tpu.memory_space<vmem>>
    %dma_wait3A_758 = tpu.memref_squeeze %dma_wait3A_757 : memref<1x2x64x256xf32, #tpu.memory_space<vmem>> -> memref<2x64x256xf32, #tpu.memory_space<vmem>>
    %dma_wait3A_759 = arith.constant 0 : i32
    %dma_wait3A_760 = tpu.memref_slice %arg11[%dma_wait3A_752, %dma_wait3A_759] : memref<16x2xi32, #tpu.memory_space<vmem>> -> memref<1x2xi32, #tpu.memory_space<vmem>>
    %dma_wait3A_761 = tpu.memref_squeeze %dma_wait3A_760 : memref<1x2xi32, #tpu.memory_space<vmem>> -> memref<2xi32, #tpu.memory_space<vmem>>
    %dma_wait3A_762 = arith.constant 0 : i32
    %dma_wait3A_763 = arith.constant 0 : i32
    %dma_wait3A_764 = arith.constant 0 : i32
    %dma_wait3A_765 = tpu.memref_slice %arg5[%dma_wait3A_762, %dma_wait3A_763, %dma_wait3A_764] : memref<4096x64x256xf32, #tpu.memory_space<hbm>> -> memref<4096x64x256xf32, #tpu.memory_space<hbm>>
    tpu.wait_indirect_dma semaphore(%arg15 : memref<!tpu.dma_semaphore, #tpu.memory_space<semaphore_mem>>) src(%dma_wait3A_765 : memref<4096x64x256xf32, #tpu.memory_space<hbm>>) dst(%dma_wait3A_758 : memref<2x64x256xf32, #tpu.memory_space<vmem>>)
    %add3A_766 = arith.constant 22 : i32
    %add3A_767 = arith.addi %mul3A_2, %add3A_766 : i32
    %dma_start3A_768 = arith.constant 2 : i32
    %dma_start3A_769 = arith.constant 0 : i32
    %dma_start3A_770 = arith.constant 0 : i32
    %dma_start3A_771 = arith.constant 0 : i32
    %dma_start3A_772 = tpu.memref_slice %arg13[%dma_start3A_768, %dma_start3A_769, %dma_start3A_770, %dma_start3A_771] : memref<3x2x64x256xf32, #tpu.memory_space<vmem>> -> memref<1x2x64x256xf32, #tpu.memory_space<vmem>>
    %dma_start3A_773 = tpu.memref_squeeze %dma_start3A_772 : memref<1x2x64x256xf32, #tpu.memory_space<vmem>> -> memref<2x64x256xf32, #tpu.memory_space<vmem>>
    %dma_start3A_774 = arith.constant 0 : i32
    %dma_start3A_775 = arith.constant 0 : i32
    %dma_start3A_776 = tpu.memref_slice %arg8[%add3A_767, %dma_start3A_774, %dma_start3A_775] : memref<1024x64x256xf32, #tpu.memory_space<hbm>> -> memref<2x64x256xf32, #tpu.memory_space<hbm>>
    %dma_start3A_777 = arith.constant 0 : i32
    %dma_start3A_778 = arith.constant 0 : i32
    %dma_start3A_779 = tpu.memref_slice %arg8[%add3A_767, %dma_start3A_777, %dma_start3A_778] : memref<1024x64x256xf32, #tpu.memory_space<hbm>> -> memref<2x64x256xf32, #tpu.memory_space<hbm>>
    %dma_start3A_780 = arith.constant 0 : i32
    %dma_start3A_781 = arith.constant 0 : i32
    %dma_start3A_782 = arith.constant 0 : i32
    %dma_start3A_783 = tpu.memref_slice %arg13[%dma_start3A_768, %dma_start3A_780, %dma_start3A_781, %dma_start3A_782] : memref<3x2x64x256xf32, #tpu.memory_space<vmem>> -> memref<1x2x64x256xf32, #tpu.memory_space<vmem>>
    %dma_start3A_784 = tpu.memref_squeeze %dma_start3A_783 : memref<1x2x64x256xf32, #tpu.memory_space<vmem>> -> memref<2x64x256xf32, #tpu.memory_space<vmem>>
    tpu.enqueue_dma source(%dma_start3A_784 : memref<2x64x256xf32, #tpu.memory_space<vmem>>) target(%dma_start3A_779 : memref<2x64x256xf32, #tpu.memory_space<hbm>>) target_semaphore(%arg16 : memref<!tpu.dma_semaphore, #tpu.memory_space<semaphore_mem>>)
    %dma_wait3A_785 = arith.constant 1 : i32
    %dma_wait3A_786 = arith.constant 0 : i32
    %dma_wait3A_787 = arith.constant 0 : i32
    %dma_wait3A_788 = arith.constant 0 : i32
    %dma_wait3A_789 = tpu.memref_slice %arg13[%dma_wait3A_785, %dma_wait3A_786, %dma_wait3A_787, %dma_wait3A_788] : memref<3x2x64x256xf32, #tpu.memory_space<vmem>> -> memref<1x2x64x256xf32, #tpu.memory_space<vmem>>
    %dma_wait3A_790 = tpu.memref_squeeze %dma_wait3A_789 : memref<1x2x64x256xf32, #tpu.memory_space<vmem>> -> memref<2x64x256xf32, #tpu.memory_space<vmem>>
    %dma_wait3A_791 = arith.constant 0 : i32
    %dma_wait3A_792 = arith.constant 0 : i32
    %dma_wait3A_793 = tpu.memref_slice %arg8[%add3A_703, %dma_wait3A_791, %dma_wait3A_792] : memref<1024x64x256xf32, #tpu.memory_space<hbm>> -> memref<2x64x256xf32, #tpu.memory_space<hbm>>
    %dma_wait3A_794 = arith.constant 0 : i32
    %dma_wait3A_795 = arith.constant 0 : i32
    %dma_wait3A_796 = tpu.memref_slice %arg8[%add3A_703, %dma_wait3A_794, %dma_wait3A_795] : memref<1024x64x256xf32, #tpu.memory_space<hbm>> -> memref<2x64x256xf32, #tpu.memory_space<hbm>>
    %dma_wait3A_797 = arith.constant 0 : i32
    %dma_wait3A_798 = arith.constant 0 : i32
    %dma_wait3A_799 = arith.constant 0 : i32
    %dma_wait3A_800 = tpu.memref_slice %arg13[%dma_wait3A_785, %dma_wait3A_797, %dma_wait3A_798, %dma_wait3A_799] : memref<3x2x64x256xf32, #tpu.memory_space<vmem>> -> memref<1x2x64x256xf32, #tpu.memory_space<vmem>>
    %dma_wait3A_801 = tpu.memref_squeeze %dma_wait3A_800 : memref<1x2x64x256xf32, #tpu.memory_space<vmem>> -> memref<2x64x256xf32, #tpu.memory_space<vmem>>
    tpu.wait_dma2 semaphore(%arg16 : memref<!tpu.dma_semaphore, #tpu.memory_space<semaphore_mem>>) src(%dma_wait3A_801 : memref<2x64x256xf32, #tpu.memory_space<vmem>>) dst(%dma_wait3A_796 : memref<2x64x256xf32, #tpu.memory_space<hbm>>)
    %dma_start3A_802 = arith.constant 13 : i32
    %dma_start3A_803 = arith.constant 1 : i32
    %dma_start3A_804 = arith.constant 0 : i32
    %dma_start3A_805 = arith.constant 0 : i32
    %dma_start3A_806 = arith.constant 0 : i32
    %dma_start3A_807 = tpu.memref_slice %arg13[%dma_start3A_803, %dma_start3A_804, %dma_start3A_805, %dma_start3A_806] : memref<3x2x64x256xf32, #tpu.memory_space<vmem>> -> memref<1x2x64x256xf32, #tpu.memory_space<vmem>>
    %dma_start3A_808 = tpu.memref_squeeze %dma_start3A_807 : memref<1x2x64x256xf32, #tpu.memory_space<vmem>> -> memref<2x64x256xf32, #tpu.memory_space<vmem>>
    %dma_start3A_809 = arith.constant 0 : i32
    %dma_start3A_810 = tpu.memref_slice %arg11[%dma_start3A_802, %dma_start3A_809] : memref<16x2xi32, #tpu.memory_space<vmem>> -> memref<1x2xi32, #tpu.memory_space<vmem>>
    %dma_start3A_811 = tpu.memref_squeeze %dma_start3A_810 : memref<1x2xi32, #tpu.memory_space<vmem>> -> memref<2xi32, #tpu.memory_space<vmem>>
    %dma_start3A_812 = arith.constant 0 : i32
    %dma_start3A_813 = arith.constant 0 : i32
    %dma_start3A_814 = arith.constant 0 : i32
    %dma_start3A_815 = tpu.memref_slice %arg5[%dma_start3A_812, %dma_start3A_813, %dma_start3A_814] : memref<4096x64x256xf32, #tpu.memory_space<hbm>> -> memref<4096x64x256xf32, #tpu.memory_space<hbm>>
    tpu.enqueue_indirect_dma source(%dma_start3A_815 : memref<4096x64x256xf32, #tpu.memory_space<hbm>>) target(%dma_start3A_808 : memref<2x64x256xf32, #tpu.memory_space<vmem>>) offsets(%dma_start3A_811 : memref<2xi32, #tpu.memory_space<vmem>>) semaphore(%arg15 : memref<!tpu.dma_semaphore, #tpu.memory_space<semaphore_mem>>)
    %dma_wait3A_816 = arith.constant 12 : i32
    %dma_wait3A_817 = arith.constant 0 : i32
    %dma_wait3A_818 = arith.constant 0 : i32
    %dma_wait3A_819 = arith.constant 0 : i32
    %dma_wait3A_820 = arith.constant 0 : i32
    %dma_wait3A_821 = tpu.memref_slice %arg13[%dma_wait3A_817, %dma_wait3A_818, %dma_wait3A_819, %dma_wait3A_820] : memref<3x2x64x256xf32, #tpu.memory_space<vmem>> -> memref<1x2x64x256xf32, #tpu.memory_space<vmem>>
    %dma_wait3A_822 = tpu.memref_squeeze %dma_wait3A_821 : memref<1x2x64x256xf32, #tpu.memory_space<vmem>> -> memref<2x64x256xf32, #tpu.memory_space<vmem>>
    %dma_wait3A_823 = arith.constant 0 : i32
    %dma_wait3A_824 = tpu.memref_slice %arg11[%dma_wait3A_816, %dma_wait3A_823] : memref<16x2xi32, #tpu.memory_space<vmem>> -> memref<1x2xi32, #tpu.memory_space<vmem>>
    %dma_wait3A_825 = tpu.memref_squeeze %dma_wait3A_824 : memref<1x2xi32, #tpu.memory_space<vmem>> -> memref<2xi32, #tpu.memory_space<vmem>>
    %dma_wait3A_826 = arith.constant 0 : i32
    %dma_wait3A_827 = arith.constant 0 : i32
    %dma_wait3A_828 = arith.constant 0 : i32
    %dma_wait3A_829 = tpu.memref_slice %arg5[%dma_wait3A_826, %dma_wait3A_827, %dma_wait3A_828] : memref<4096x64x256xf32, #tpu.memory_space<hbm>> -> memref<4096x64x256xf32, #tpu.memory_space<hbm>>
    tpu.wait_indirect_dma semaphore(%arg15 : memref<!tpu.dma_semaphore, #tpu.memory_space<semaphore_mem>>) src(%dma_wait3A_829 : memref<4096x64x256xf32, #tpu.memory_space<hbm>>) dst(%dma_wait3A_822 : memref<2x64x256xf32, #tpu.memory_space<vmem>>)
    %add3A_830 = arith.constant 24 : i32
    %add3A_831 = arith.addi %mul3A_2, %add3A_830 : i32
    %dma_start3A_832 = arith.constant 0 : i32
    %dma_start3A_833 = arith.constant 0 : i32
    %dma_start3A_834 = arith.constant 0 : i32
    %dma_start3A_835 = arith.constant 0 : i32
    %dma_start3A_836 = tpu.memref_slice %arg13[%dma_start3A_832, %dma_start3A_833, %dma_start3A_834, %dma_start3A_835] : memref<3x2x64x256xf32, #tpu.memory_space<vmem>> -> memref<1x2x64x256xf32, #tpu.memory_space<vmem>>
    %dma_start3A_837 = tpu.memref_squeeze %dma_start3A_836 : memref<1x2x64x256xf32, #tpu.memory_space<vmem>> -> memref<2x64x256xf32, #tpu.memory_space<vmem>>
    %dma_start3A_838 = arith.constant 0 : i32
    %dma_start3A_839 = arith.constant 0 : i32
    %dma_start3A_840 = tpu.memref_slice %arg8[%add3A_831, %dma_start3A_838, %dma_start3A_839] : memref<1024x64x256xf32, #tpu.memory_space<hbm>> -> memref<2x64x256xf32, #tpu.memory_space<hbm>>
    %dma_start3A_841 = arith.constant 0 : i32
    %dma_start3A_842 = arith.constant 0 : i32
    %dma_start3A_843 = tpu.memref_slice %arg8[%add3A_831, %dma_start3A_841, %dma_start3A_842] : memref<1024x64x256xf32, #tpu.memory_space<hbm>> -> memref<2x64x256xf32, #tpu.memory_space<hbm>>
    %dma_start3A_844 = arith.constant 0 : i32
    %dma_start3A_845 = arith.constant 0 : i32
    %dma_start3A_846 = arith.constant 0 : i32
    %dma_start3A_847 = tpu.memref_slice %arg13[%dma_start3A_832, %dma_start3A_844, %dma_start3A_845, %dma_start3A_846] : memref<3x2x64x256xf32, #tpu.memory_space<vmem>> -> memref<1x2x64x256xf32, #tpu.memory_space<vmem>>
    %dma_start3A_848 = tpu.memref_squeeze %dma_start3A_847 : memref<1x2x64x256xf32, #tpu.memory_space<vmem>> -> memref<2x64x256xf32, #tpu.memory_space<vmem>>
    tpu.enqueue_dma source(%dma_start3A_848 : memref<2x64x256xf32, #tpu.memory_space<vmem>>) target(%dma_start3A_843 : memref<2x64x256xf32, #tpu.memory_space<hbm>>) target_semaphore(%arg16 : memref<!tpu.dma_semaphore, #tpu.memory_space<semaphore_mem>>)
    %dma_wait3A_849 = arith.constant 2 : i32
    %dma_wait3A_850 = arith.constant 0 : i32
    %dma_wait3A_851 = arith.constant 0 : i32
    %dma_wait3A_852 = arith.constant 0 : i32
    %dma_wait3A_853 = tpu.memref_slice %arg13[%dma_wait3A_849, %dma_wait3A_850, %dma_wait3A_851, %dma_wait3A_852] : memref<3x2x64x256xf32, #tpu.memory_space<vmem>> -> memref<1x2x64x256xf32, #tpu.memory_space<vmem>>
    %dma_wait3A_854 = tpu.memref_squeeze %dma_wait3A_853 : memref<1x2x64x256xf32, #tpu.memory_space<vmem>> -> memref<2x64x256xf32, #tpu.memory_space<vmem>>
    %dma_wait3A_855 = arith.constant 0 : i32
    %dma_wait3A_856 = arith.constant 0 : i32
    %dma_wait3A_857 = tpu.memref_slice %arg8[%add3A_767, %dma_wait3A_855, %dma_wait3A_856] : memref<1024x64x256xf32, #tpu.memory_space<hbm>> -> memref<2x64x256xf32, #tpu.memory_space<hbm>>
    %dma_wait3A_858 = arith.constant 0 : i32
    %dma_wait3A_859 = arith.constant 0 : i32
    %dma_wait3A_860 = tpu.memref_slice %arg8[%add3A_767, %dma_wait3A_858, %dma_wait3A_859] : memref<1024x64x256xf32, #tpu.memory_space<hbm>> -> memref<2x64x256xf32, #tpu.memory_space<hbm>>
    %dma_wait3A_861 = arith.constant 0 : i32
    %dma_wait3A_862 = arith.constant 0 : i32
    %dma_wait3A_863 = arith.constant 0 : i32
    %dma_wait3A_864 = tpu.memref_slice %arg13[%dma_wait3A_849, %dma_wait3A_861, %dma_wait3A_862, %dma_wait3A_863] : memref<3x2x64x256xf32, #tpu.memory_space<vmem>> -> memref<1x2x64x256xf32, #tpu.memory_space<vmem>>
    %dma_wait3A_865 = tpu.memref_squeeze %dma_wait3A_864 : memref<1x2x64x256xf32, #tpu.memory_space<vmem>> -> memref<2x64x256xf32, #tpu.memory_space<vmem>>
    tpu.wait_dma2 semaphore(%arg16 : memref<!tpu.dma_semaphore, #tpu.memory_space<semaphore_mem>>) src(%dma_wait3A_865 : memref<2x64x256xf32, #tpu.memory_space<vmem>>) dst(%dma_wait3A_860 : memref<2x64x256xf32, #tpu.memory_space<hbm>>)
    %dma_start3A_866 = arith.constant 14 : i32
    %dma_start3A_867 = arith.constant 2 : i32
    %dma_start3A_868 = arith.constant 0 : i32
    %dma_start3A_869 = arith.constant 0 : i32
    %dma_start3A_870 = arith.constant 0 : i32
    %dma_start3A_871 = tpu.memref_slice %arg13[%dma_start3A_867, %dma_start3A_868, %dma_start3A_869, %dma_start3A_870] : memref<3x2x64x256xf32, #tpu.memory_space<vmem>> -> memref<1x2x64x256xf32, #tpu.memory_space<vmem>>
    %dma_start3A_872 = tpu.memref_squeeze %dma_start3A_871 : memref<1x2x64x256xf32, #tpu.memory_space<vmem>> -> memref<2x64x256xf32, #tpu.memory_space<vmem>>
    %dma_start3A_873 = arith.constant 0 : i32
    %dma_start3A_874 = tpu.memref_slice %arg11[%dma_start3A_866, %dma_start3A_873] : memref<16x2xi32, #tpu.memory_space<vmem>> -> memref<1x2xi32, #tpu.memory_space<vmem>>
    %dma_start3A_875 = tpu.memref_squeeze %dma_start3A_874 : memref<1x2xi32, #tpu.memory_space<vmem>> -> memref<2xi32, #tpu.memory_space<vmem>>
    %dma_start3A_876 = arith.constant 0 : i32
    %dma_start3A_877 = arith.constant 0 : i32
    %dma_start3A_878 = arith.constant 0 : i32
    %dma_start3A_879 = tpu.memref_slice %arg5[%dma_start3A_876, %dma_start3A_877, %dma_start3A_878] : memref<4096x64x256xf32, #tpu.memory_space<hbm>> -> memref<4096x64x256xf32, #tpu.memory_space<hbm>>
    tpu.enqueue_indirect_dma source(%dma_start3A_879 : memref<4096x64x256xf32, #tpu.memory_space<hbm>>) target(%dma_start3A_872 : memref<2x64x256xf32, #tpu.memory_space<vmem>>) offsets(%dma_start3A_875 : memref<2xi32, #tpu.memory_space<vmem>>) semaphore(%arg15 : memref<!tpu.dma_semaphore, #tpu.memory_space<semaphore_mem>>)
    %dma_wait3A_880 = arith.constant 13 : i32
    %dma_wait3A_881 = arith.constant 1 : i32
    %dma_wait3A_882 = arith.constant 0 : i32
    %dma_wait3A_883 = arith.constant 0 : i32
    %dma_wait3A_884 = arith.constant 0 : i32
    %dma_wait3A_885 = tpu.memref_slice %arg13[%dma_wait3A_881, %dma_wait3A_882, %dma_wait3A_883, %dma_wait3A_884] : memref<3x2x64x256xf32, #tpu.memory_space<vmem>> -> memref<1x2x64x256xf32, #tpu.memory_space<vmem>>
    %dma_wait3A_886 = tpu.memref_squeeze %dma_wait3A_885 : memref<1x2x64x256xf32, #tpu.memory_space<vmem>> -> memref<2x64x256xf32, #tpu.memory_space<vmem>>
    %dma_wait3A_887 = arith.constant 0 : i32
    %dma_wait3A_888 = tpu.memref_slice %arg11[%dma_wait3A_880, %dma_wait3A_887] : memref<16x2xi32, #tpu.memory_space<vmem>> -> memref<1x2xi32, #tpu.memory_space<vmem>>
    %dma_wait3A_889 = tpu.memref_squeeze %dma_wait3A_888 : memref<1x2xi32, #tpu.memory_space<vmem>> -> memref<2xi32, #tpu.memory_space<vmem>>
    %dma_wait3A_890 = arith.constant 0 : i32
    %dma_wait3A_891 = arith.constant 0 : i32
    %dma_wait3A_892 = arith.constant 0 : i32
    %dma_wait3A_893 = tpu.memref_slice %arg5[%dma_wait3A_890, %dma_wait3A_891, %dma_wait3A_892] : memref<4096x64x256xf32, #tpu.memory_space<hbm>> -> memref<4096x64x256xf32, #tpu.memory_space<hbm>>
    tpu.wait_indirect_dma semaphore(%arg15 : memref<!tpu.dma_semaphore, #tpu.memory_space<semaphore_mem>>) src(%dma_wait3A_893 : memref<4096x64x256xf32, #tpu.memory_space<hbm>>) dst(%dma_wait3A_886 : memref<2x64x256xf32, #tpu.memory_space<vmem>>)
    %add3A_894 = arith.constant 26 : i32
    %add3A_895 = arith.addi %mul3A_2, %add3A_894 : i32
    %dma_start3A_896 = arith.constant 1 : i32
    %dma_start3A_897 = arith.constant 0 : i32
    %dma_start3A_898 = arith.constant 0 : i32
    %dma_start3A_899 = arith.constant 0 : i32
    %dma_start3A_900 = tpu.memref_slice %arg13[%dma_start3A_896, %dma_start3A_897, %dma_start3A_898, %dma_start3A_899] : memref<3x2x64x256xf32, #tpu.memory_space<vmem>> -> memref<1x2x64x256xf32, #tpu.memory_space<vmem>>
    %dma_start3A_901 = tpu.memref_squeeze %dma_start3A_900 : memref<1x2x64x256xf32, #tpu.memory_space<vmem>> -> memref<2x64x256xf32, #tpu.memory_space<vmem>>
    %dma_start3A_902 = arith.constant 0 : i32
    %dma_start3A_903 = arith.constant 0 : i32
    %dma_start3A_904 = tpu.memref_slice %arg8[%add3A_895, %dma_start3A_902, %dma_start3A_903] : memref<1024x64x256xf32, #tpu.memory_space<hbm>> -> memref<2x64x256xf32, #tpu.memory_space<hbm>>
    %dma_start3A_905 = arith.constant 0 : i32
    %dma_start3A_906 = arith.constant 0 : i32
    %dma_start3A_907 = tpu.memref_slice %arg8[%add3A_895, %dma_start3A_905, %dma_start3A_906] : memref<1024x64x256xf32, #tpu.memory_space<hbm>> -> memref<2x64x256xf32, #tpu.memory_space<hbm>>
    %dma_start3A_908 = arith.constant 0 : i32
    %dma_start3A_909 = arith.constant 0 : i32
    %dma_start3A_910 = arith.constant 0 : i32
    %dma_start3A_911 = tpu.memref_slice %arg13[%dma_start3A_896, %dma_start3A_908, %dma_start3A_909, %dma_start3A_910] : memref<3x2x64x256xf32, #tpu.memory_space<vmem>> -> memref<1x2x64x256xf32, #tpu.memory_space<vmem>>
    %dma_start3A_912 = tpu.memref_squeeze %dma_start3A_911 : memref<1x2x64x256xf32, #tpu.memory_space<vmem>> -> memref<2x64x256xf32, #tpu.memory_space<vmem>>
    tpu.enqueue_dma source(%dma_start3A_912 : memref<2x64x256xf32, #tpu.memory_space<vmem>>) target(%dma_start3A_907 : memref<2x64x256xf32, #tpu.memory_space<hbm>>) target_semaphore(%arg16 : memref<!tpu.dma_semaphore, #tpu.memory_space<semaphore_mem>>)
    %dma_wait3A_913 = arith.constant 0 : i32
    %dma_wait3A_914 = arith.constant 0 : i32
    %dma_wait3A_915 = arith.constant 0 : i32
    %dma_wait3A_916 = arith.constant 0 : i32
    %dma_wait3A_917 = tpu.memref_slice %arg13[%dma_wait3A_913, %dma_wait3A_914, %dma_wait3A_915, %dma_wait3A_916] : memref<3x2x64x256xf32, #tpu.memory_space<vmem>> -> memref<1x2x64x256xf32, #tpu.memory_space<vmem>>
    %dma_wait3A_918 = tpu.memref_squeeze %dma_wait3A_917 : memref<1x2x64x256xf32, #tpu.memory_space<vmem>> -> memref<2x64x256xf32, #tpu.memory_space<vmem>>
    %dma_wait3A_919 = arith.constant 0 : i32
    %dma_wait3A_920 = arith.constant 0 : i32
    %dma_wait3A_921 = tpu.memref_slice %arg8[%add3A_831, %dma_wait3A_919, %dma_wait3A_920] : memref<1024x64x256xf32, #tpu.memory_space<hbm>> -> memref<2x64x256xf32, #tpu.memory_space<hbm>>
    %dma_wait3A_922 = arith.constant 0 : i32
    %dma_wait3A_923 = arith.constant 0 : i32
    %dma_wait3A_924 = tpu.memref_slice %arg8[%add3A_831, %dma_wait3A_922, %dma_wait3A_923] : memref<1024x64x256xf32, #tpu.memory_space<hbm>> -> memref<2x64x256xf32, #tpu.memory_space<hbm>>
    %dma_wait3A_925 = arith.constant 0 : i32
    %dma_wait3A_926 = arith.constant 0 : i32
    %dma_wait3A_927 = arith.constant 0 : i32
    %dma_wait3A_928 = tpu.memref_slice %arg13[%dma_wait3A_913, %dma_wait3A_925, %dma_wait3A_926, %dma_wait3A_927] : memref<3x2x64x256xf32, #tpu.memory_space<vmem>> -> memref<1x2x64x256xf32, #tpu.memory_space<vmem>>
    %dma_wait3A_929 = tpu.memref_squeeze %dma_wait3A_928 : memref<1x2x64x256xf32, #tpu.memory_space<vmem>> -> memref<2x64x256xf32, #tpu.memory_space<vmem>>
    tpu.wait_dma2 semaphore(%arg16 : memref<!tpu.dma_semaphore, #tpu.memory_space<semaphore_mem>>) src(%dma_wait3A_929 : memref<2x64x256xf32, #tpu.memory_space<vmem>>) dst(%dma_wait3A_924 : memref<2x64x256xf32, #tpu.memory_space<hbm>>)
    %dma_start3A_930 = arith.constant 15 : i32
    %dma_start3A_931 = arith.constant 0 : i32
    %dma_start3A_932 = arith.constant 0 : i32
    %dma_start3A_933 = arith.constant 0 : i32
    %dma_start3A_934 = arith.constant 0 : i32
    %dma_start3A_935 = tpu.memref_slice %arg13[%dma_start3A_931, %dma_start3A_932, %dma_start3A_933, %dma_start3A_934] : memref<3x2x64x256xf32, #tpu.memory_space<vmem>> -> memref<1x2x64x256xf32, #tpu.memory_space<vmem>>
    %dma_start3A_936 = tpu.memref_squeeze %dma_start3A_935 : memref<1x2x64x256xf32, #tpu.memory_space<vmem>> -> memref<2x64x256xf32, #tpu.memory_space<vmem>>
    %dma_start3A_937 = arith.constant 0 : i32
    %dma_start3A_938 = tpu.memref_slice %arg11[%dma_start3A_930, %dma_start3A_937] : memref<16x2xi32, #tpu.memory_space<vmem>> -> memref<1x2xi32, #tpu.memory_space<vmem>>
    %dma_start3A_939 = tpu.memref_squeeze %dma_start3A_938 : memref<1x2xi32, #tpu.memory_space<vmem>> -> memref<2xi32, #tpu.memory_space<vmem>>
    %dma_start3A_940 = arith.constant 0 : i32
    %dma_start3A_941 = arith.constant 0 : i32
    %dma_start3A_942 = arith.constant 0 : i32
    %dma_start3A_943 = tpu.memref_slice %arg5[%dma_start3A_940, %dma_start3A_941, %dma_start3A_942] : memref<4096x64x256xf32, #tpu.memory_space<hbm>> -> memref<4096x64x256xf32, #tpu.memory_space<hbm>>
    tpu.enqueue_indirect_dma source(%dma_start3A_943 : memref<4096x64x256xf32, #tpu.memory_space<hbm>>) target(%dma_start3A_936 : memref<2x64x256xf32, #tpu.memory_space<vmem>>) offsets(%dma_start3A_939 : memref<2xi32, #tpu.memory_space<vmem>>) semaphore(%arg15 : memref<!tpu.dma_semaphore, #tpu.memory_space<semaphore_mem>>)
    %dma_wait3A_944 = arith.constant 14 : i32
    %dma_wait3A_945 = arith.constant 2 : i32
    %dma_wait3A_946 = arith.constant 0 : i32
    %dma_wait3A_947 = arith.constant 0 : i32
    %dma_wait3A_948 = arith.constant 0 : i32
    %dma_wait3A_949 = tpu.memref_slice %arg13[%dma_wait3A_945, %dma_wait3A_946, %dma_wait3A_947, %dma_wait3A_948] : memref<3x2x64x256xf32, #tpu.memory_space<vmem>> -> memref<1x2x64x256xf32, #tpu.memory_space<vmem>>
    %dma_wait3A_950 = tpu.memref_squeeze %dma_wait3A_949 : memref<1x2x64x256xf32, #tpu.memory_space<vmem>> -> memref<2x64x256xf32, #tpu.memory_space<vmem>>
    %dma_wait3A_951 = arith.constant 0 : i32
    %dma_wait3A_952 = tpu.memref_slice %arg11[%dma_wait3A_944, %dma_wait3A_951] : memref<16x2xi32, #tpu.memory_space<vmem>> -> memref<1x2xi32, #tpu.memory_space<vmem>>
    %dma_wait3A_953 = tpu.memref_squeeze %dma_wait3A_952 : memref<1x2xi32, #tpu.memory_space<vmem>> -> memref<2xi32, #tpu.memory_space<vmem>>
    %dma_wait3A_954 = arith.constant 0 : i32
    %dma_wait3A_955 = arith.constant 0 : i32
    %dma_wait3A_956 = arith.constant 0 : i32
    %dma_wait3A_957 = tpu.memref_slice %arg5[%dma_wait3A_954, %dma_wait3A_955, %dma_wait3A_956] : memref<4096x64x256xf32, #tpu.memory_space<hbm>> -> memref<4096x64x256xf32, #tpu.memory_space<hbm>>
    tpu.wait_indirect_dma semaphore(%arg15 : memref<!tpu.dma_semaphore, #tpu.memory_space<semaphore_mem>>) src(%dma_wait3A_957 : memref<4096x64x256xf32, #tpu.memory_space<hbm>>) dst(%dma_wait3A_950 : memref<2x64x256xf32, #tpu.memory_space<vmem>>)
    %add3A_958 = arith.constant 28 : i32
    %add3A_959 = arith.addi %mul3A_2, %add3A_958 : i32
    %dma_start3A_960 = arith.constant 2 : i32
    %dma_start3A_961 = arith.constant 0 : i32
    %dma_start3A_962 = arith.constant 0 : i32
    %dma_start3A_963 = arith.constant 0 : i32
    %dma_start3A_964 = tpu.memref_slice %arg13[%dma_start3A_960, %dma_start3A_961, %dma_start3A_962, %dma_start3A_963] : memref<3x2x64x256xf32, #tpu.memory_space<vmem>> -> memref<1x2x64x256xf32, #tpu.memory_space<vmem>>
    %dma_start3A_965 = tpu.memref_squeeze %dma_start3A_964 : memref<1x2x64x256xf32, #tpu.memory_space<vmem>> -> memref<2x64x256xf32, #tpu.memory_space<vmem>>
    %dma_start3A_966 = arith.constant 0 : i32
    %dma_start3A_967 = arith.constant 0 : i32
    %dma_start3A_968 = tpu.memref_slice %arg8[%add3A_959, %dma_start3A_966, %dma_start3A_967] : memref<1024x64x256xf32, #tpu.memory_space<hbm>> -> memref<2x64x256xf32, #tpu.memory_space<hbm>>
    %dma_start3A_969 = arith.constant 0 : i32
    %dma_start3A_970 = arith.constant 0 : i32
    %dma_start3A_971 = tpu.memref_slice %arg8[%add3A_959, %dma_start3A_969, %dma_start3A_970] : memref<1024x64x256xf32, #tpu.memory_space<hbm>> -> memref<2x64x256xf32, #tpu.memory_space<hbm>>
    %dma_start3A_972 = arith.constant 0 : i32
    %dma_start3A_973 = arith.constant 0 : i32
    %dma_start3A_974 = arith.constant 0 : i32
    %dma_start3A_975 = tpu.memref_slice %arg13[%dma_start3A_960, %dma_start3A_972, %dma_start3A_973, %dma_start3A_974] : memref<3x2x64x256xf32, #tpu.memory_space<vmem>> -> memref<1x2x64x256xf32, #tpu.memory_space<vmem>>
    %dma_start3A_976 = tpu.memref_squeeze %dma_start3A_975 : memref<1x2x64x256xf32, #tpu.memory_space<vmem>> -> memref<2x64x256xf32, #tpu.memory_space<vmem>>
    tpu.enqueue_dma source(%dma_start3A_976 : memref<2x64x256xf32, #tpu.memory_space<vmem>>) target(%dma_start3A_971 : memref<2x64x256xf32, #tpu.memory_space<hbm>>) target_semaphore(%arg16 : memref<!tpu.dma_semaphore, #tpu.memory_space<semaphore_mem>>)
    %dma_wait3A_977 = arith.constant 15 : i32
    %dma_wait3A_978 = arith.constant 0 : i32
    %dma_wait3A_979 = arith.constant 0 : i32
    %dma_wait3A_980 = arith.constant 0 : i32
    %dma_wait3A_981 = arith.constant 0 : i32
    %dma_wait3A_982 = tpu.memref_slice %arg13[%dma_wait3A_978, %dma_wait3A_979, %dma_wait3A_980, %dma_wait3A_981] : memref<3x2x64x256xf32, #tpu.memory_space<vmem>> -> memref<1x2x64x256xf32, #tpu.memory_space<vmem>>
    %dma_wait3A_983 = tpu.memref_squeeze %dma_wait3A_982 : memref<1x2x64x256xf32, #tpu.memory_space<vmem>> -> memref<2x64x256xf32, #tpu.memory_space<vmem>>
    %dma_wait3A_984 = arith.constant 0 : i32
    %dma_wait3A_985 = tpu.memref_slice %arg11[%dma_wait3A_977, %dma_wait3A_984] : memref<16x2xi32, #tpu.memory_space<vmem>> -> memref<1x2xi32, #tpu.memory_space<vmem>>
    %dma_wait3A_986 = tpu.memref_squeeze %dma_wait3A_985 : memref<1x2xi32, #tpu.memory_space<vmem>> -> memref<2xi32, #tpu.memory_space<vmem>>
    %dma_wait3A_987 = arith.constant 0 : i32
    %dma_wait3A_988 = arith.constant 0 : i32
    %dma_wait3A_989 = arith.constant 0 : i32
    %dma_wait3A_990 = tpu.memref_slice %arg5[%dma_wait3A_987, %dma_wait3A_988, %dma_wait3A_989] : memref<4096x64x256xf32, #tpu.memory_space<hbm>> -> memref<4096x64x256xf32, #tpu.memory_space<hbm>>
    tpu.wait_indirect_dma semaphore(%arg15 : memref<!tpu.dma_semaphore, #tpu.memory_space<semaphore_mem>>) src(%dma_wait3A_990 : memref<4096x64x256xf32, #tpu.memory_space<hbm>>) dst(%dma_wait3A_983 : memref<2x64x256xf32, #tpu.memory_space<vmem>>)
    %add3A_991 = arith.constant 30 : i32
    %add3A_992 = arith.addi %mul3A_2, %add3A_991 : i32
    %dma_start3A_993 = arith.constant 0 : i32
    %dma_start3A_994 = arith.constant 0 : i32
    %dma_start3A_995 = arith.constant 0 : i32
    %dma_start3A_996 = arith.constant 0 : i32
    %dma_start3A_997 = tpu.memref_slice %arg13[%dma_start3A_993, %dma_start3A_994, %dma_start3A_995, %dma_start3A_996] : memref<3x2x64x256xf32, #tpu.memory_space<vmem>> -> memref<1x2x64x256xf32, #tpu.memory_space<vmem>>
    %dma_start3A_998 = tpu.memref_squeeze %dma_start3A_997 : memref<1x2x64x256xf32, #tpu.memory_space<vmem>> -> memref<2x64x256xf32, #tpu.memory_space<vmem>>
    %dma_start3A_999 = arith.constant 0 : i32
    %dma_start3A_1000 = arith.constant 0 : i32
    %dma_start3A_1001 = tpu.memref_slice %arg8[%add3A_992, %dma_start3A_999, %dma_start3A_1000] : memref<1024x64x256xf32, #tpu.memory_space<hbm>> -> memref<2x64x256xf32, #tpu.memory_space<hbm>>
    %dma_start3A_1002 = arith.constant 0 : i32
    %dma_start3A_1003 = arith.constant 0 : i32
    %dma_start3A_1004 = tpu.memref_slice %arg8[%add3A_992, %dma_start3A_1002, %dma_start3A_1003] : memref<1024x64x256xf32, #tpu.memory_space<hbm>> -> memref<2x64x256xf32, #tpu.memory_space<hbm>>
    %dma_start3A_1005 = arith.constant 0 : i32
    %dma_start3A_1006 = arith.constant 0 : i32
    %dma_start3A_1007 = arith.constant 0 : i32
    %dma_start3A_1008 = tpu.memref_slice %arg13[%dma_start3A_993, %dma_start3A_1005, %dma_start3A_1006, %dma_start3A_1007] : memref<3x2x64x256xf32, #tpu.memory_space<vmem>> -> memref<1x2x64x256xf32, #tpu.memory_space<vmem>>
    %dma_start3A_1009 = tpu.memref_squeeze %dma_start3A_1008 : memref<1x2x64x256xf32, #tpu.memory_space<vmem>> -> memref<2x64x256xf32, #tpu.memory_space<vmem>>
    tpu.enqueue_dma source(%dma_start3A_1009 : memref<2x64x256xf32, #tpu.memory_space<vmem>>) target(%dma_start3A_1004 : memref<2x64x256xf32, #tpu.memory_space<hbm>>) target_semaphore(%arg16 : memref<!tpu.dma_semaphore, #tpu.memory_space<semaphore_mem>>)
    %dma_wait3A_1010 = arith.constant 0 : i32
    %dma_wait3A_1011 = arith.constant 0 : i32
    %dma_wait3A_1012 = arith.constant 0 : i32
    %dma_wait3A_1013 = tpu.memref_slice %arg4[%dma_wait3A_1010, %dma_wait3A_1011, %dma_wait3A_1012] : memref<4096x2x256xf32, #tpu.memory_space<hbm>> -> memref<4096x2x256xf32, #tpu.memory_space<hbm>>
    tpu.wait_indirect_dma semaphore(%arg17 : memref<!tpu.dma_semaphore, #tpu.memory_space<semaphore_mem>>) src(%dma_wait3A_1013 : memref<4096x2x256xf32, #tpu.memory_space<hbm>>) dst(%arg12 : memref<32x2x256xf32, #tpu.memory_space<vmem>>)
    "tpu.region"() ({
      %run_scoped3A = tpu.sem_alloc : memref<!tpu.dma_semaphore, #tpu.memory_space<semaphore_mem>>
      %dma_start3A_1069 = arith.constant 0 : i32
      %dma_start3A_1070 = arith.constant 0 : i32
      %dma_start3A_1071 = tpu.memref_slice %arg7[%mul3A_2, %dma_start3A_1069, %dma_start3A_1070] : memref<1024x2x256xf32, #tpu.memory_space<hbm>> -> memref<32x2x256xf32, #tpu.memory_space<hbm>>
      %dma_start3A_1072 = arith.constant 0 : i32
      %dma_start3A_1073 = arith.constant 0 : i32
      %dma_start3A_1074 = tpu.memref_slice %arg7[%mul3A_2, %dma_start3A_1072, %dma_start3A_1073] : memref<1024x2x256xf32, #tpu.memory_space<hbm>> -> memref<32x2x256xf32, #tpu.memory_space<hbm>>
      tpu.enqueue_dma source(%arg12 : memref<32x2x256xf32, #tpu.memory_space<vmem>>) target(%dma_start3A_1074 : memref<32x2x256xf32, #tpu.memory_space<hbm>>) target_semaphore(%run_scoped3A : memref<!tpu.dma_semaphore, #tpu.memory_space<semaphore_mem>>)
      %dma_wait3A_1075 = arith.constant 0 : i32
      %dma_wait3A_1076 = arith.constant 0 : i32
      %dma_wait3A_1077 = tpu.memref_slice %arg7[%mul3A_2, %dma_wait3A_1075, %dma_wait3A_1076] : memref<1024x2x256xf32, #tpu.memory_space<hbm>> -> memref<32x2x256xf32, #tpu.memory_space<hbm>>
      %dma_wait3A_1078 = arith.constant 0 : i32
      %dma_wait3A_1079 = arith.constant 0 : i32
      %dma_wait3A_1080 = tpu.memref_slice %arg7[%mul3A_2, %dma_wait3A_1078, %dma_wait3A_1079] : memref<1024x2x256xf32, #tpu.memory_space<hbm>> -> memref<32x2x256xf32, #tpu.memory_space<hbm>>
      tpu.wait_dma2 semaphore(%run_scoped3A : memref<!tpu.dma_semaphore, #tpu.memory_space<semaphore_mem>>) src(%arg12 : memref<32x2x256xf32, #tpu.memory_space<vmem>>) dst(%dma_wait3A_1080 : memref<32x2x256xf32, #tpu.memory_space<hbm>>)
      tpu.yield
    }) : () -> ()
    %dma_wait3A_1014 = arith.constant 0 : i32
    %dma_wait3A_1015 = arith.constant 0 : i32
    %dma_wait3A_1016 = arith.constant 0 : i32
    %dma_wait3A_1017 = tpu.memref_slice %arg6[%dma_wait3A_1014, %dma_wait3A_1015, %dma_wait3A_1016] : memref<4096x1x256xf32, #tpu.memory_space<hbm>> -> memref<4096x1x256xf32, #tpu.memory_space<hbm>>
    tpu.wait_indirect_dma semaphore(%arg18 : memref<!tpu.dma_semaphore, #tpu.memory_space<semaphore_mem>>) src(%dma_wait3A_1017 : memref<4096x1x256xf32, #tpu.memory_space<hbm>>) dst(%arg14 : memref<32x1x256xf32, #tpu.memory_space<vmem>>)
    "tpu.region"() ({
      %run_scoped3A = tpu.sem_alloc : memref<!tpu.dma_semaphore, #tpu.memory_space<semaphore_mem>>
      %dma_start3A_1069 = arith.constant 0 : i32
      %dma_start3A_1070 = arith.constant 0 : i32
      %dma_start3A_1071 = tpu.memref_slice %arg9[%mul3A_2, %dma_start3A_1069, %dma_start3A_1070] : memref<1024x1x256xf32, #tpu.memory_space<hbm>> -> memref<32x1x256xf32, #tpu.memory_space<hbm>>
      %dma_start3A_1072 = arith.constant 0 : i32
      %dma_start3A_1073 = arith.constant 0 : i32
      %dma_start3A_1074 = tpu.memref_slice %arg9[%mul3A_2, %dma_start3A_1072, %dma_start3A_1073] : memref<1024x1x256xf32, #tpu.memory_space<hbm>> -> memref<32x1x256xf32, #tpu.memory_space<hbm>>
      tpu.enqueue_dma source(%arg14 : memref<32x1x256xf32, #tpu.memory_space<vmem>>) target(%dma_start3A_1074 : memref<32x1x256xf32, #tpu.memory_space<hbm>>) target_semaphore(%run_scoped3A : memref<!tpu.dma_semaphore, #tpu.memory_space<semaphore_mem>>)
      %dma_wait3A_1075 = arith.constant 0 : i32
      %dma_wait3A_1076 = arith.constant 0 : i32
      %dma_wait3A_1077 = tpu.memref_slice %arg9[%mul3A_2, %dma_wait3A_1075, %dma_wait3A_1076] : memref<1024x1x256xf32, #tpu.memory_space<hbm>> -> memref<32x1x256xf32, #tpu.memory_space<hbm>>
      %dma_wait3A_1078 = arith.constant 0 : i32
      %dma_wait3A_1079 = arith.constant 0 : i32
      %dma_wait3A_1080 = tpu.memref_slice %arg9[%mul3A_2, %dma_wait3A_1078, %dma_wait3A_1079] : memref<1024x1x256xf32, #tpu.memory_space<hbm>> -> memref<32x1x256xf32, #tpu.memory_space<hbm>>
      tpu.wait_dma2 semaphore(%run_scoped3A : memref<!tpu.dma_semaphore, #tpu.memory_space<semaphore_mem>>) src(%arg14 : memref<32x1x256xf32, #tpu.memory_space<vmem>>) dst(%dma_wait3A_1080 : memref<32x1x256xf32, #tpu.memory_space<hbm>>)
      tpu.yield
    }) : () -> ()
    %dma_wait3A_1018 = arith.constant 1 : i32
    %dma_wait3A_1019 = arith.constant 0 : i32
    %dma_wait3A_1020 = arith.constant 0 : i32
    %dma_wait3A_1021 = arith.constant 0 : i32
    %dma_wait3A_1022 = tpu.memref_slice %arg13[%dma_wait3A_1018, %dma_wait3A_1019, %dma_wait3A_1020, %dma_wait3A_1021] : memref<3x2x64x256xf32, #tpu.memory_space<vmem>> -> memref<1x2x64x256xf32, #tpu.memory_space<vmem>>
    %dma_wait3A_1023 = tpu.memref_squeeze %dma_wait3A_1022 : memref<1x2x64x256xf32, #tpu.memory_space<vmem>> -> memref<2x64x256xf32, #tpu.memory_space<vmem>>
    %dma_wait3A_1024 = arith.constant 0 : i32
    %dma_wait3A_1025 = arith.constant 0 : i32
    %dma_wait3A_1026 = tpu.memref_slice %arg8[%add3A_895, %dma_wait3A_1024, %dma_wait3A_1025] : memref<1024x64x256xf32, #tpu.memory_space<hbm>> -> memref<2x64x256xf32, #tpu.memory_space<hbm>>
    %dma_wait3A_1027 = arith.constant 0 : i32
    %dma_wait3A_1028 = arith.constant 0 : i32
    %dma_wait3A_1029 = tpu.memref_slice %arg8[%add3A_895, %dma_wait3A_1027, %dma_wait3A_1028] : memref<1024x64x256xf32, #tpu.memory_space<hbm>> -> memref<2x64x256xf32, #tpu.memory_space<hbm>>
    %dma_wait3A_1030 = arith.constant 0 : i32
    %dma_wait3A_1031 = arith.constant 0 : i32
    %dma_wait3A_1032 = arith.constant 0 : i32
    %dma_wait3A_1033 = tpu.memref_slice %arg13[%dma_wait3A_1018, %dma_wait3A_1030, %dma_wait3A_1031, %dma_wait3A_1032] : memref<3x2x64x256xf32, #tpu.memory_space<vmem>> -> memref<1x2x64x256xf32, #tpu.memory_space<vmem>>
    %dma_wait3A_1034 = tpu.memref_squeeze %dma_wait3A_1033 : memref<1x2x64x256xf32, #tpu.memory_space<vmem>> -> memref<2x64x256xf32, #tpu.memory_space<vmem>>
    tpu.wait_dma2 semaphore(%arg16 : memref<!tpu.dma_semaphore, #tpu.memory_space<semaphore_mem>>) src(%dma_wait3A_1034 : memref<2x64x256xf32, #tpu.memory_space<vmem>>) dst(%dma_wait3A_1029 : memref<2x64x256xf32, #tpu.memory_space<hbm>>)
    %dma_wait3A_1035 = arith.constant 2 : i32
    %dma_wait3A_1036 = arith.constant 0 : i32
    %dma_wait3A_1037 = arith.constant 0 : i32
    %dma_wait3A_1038 = arith.constant 0 : i32
    %dma_wait3A_1039 = tpu.memref_slice %arg13[%dma_wait3A_1035, %dma_wait3A_1036, %dma_wait3A_1037, %dma_wait3A_1038] : memref<3x2x64x256xf32, #tpu.memory_space<vmem>> -> memref<1x2x64x256xf32, #tpu.memory_space<vmem>>
    %dma_wait3A_1040 = tpu.memref_squeeze %dma_wait3A_1039 : memref<1x2x64x256xf32, #tpu.memory_space<vmem>> -> memref<2x64x256xf32, #tpu.memory_space<vmem>>
    %dma_wait3A_1041 = arith.constant 0 : i32
    %dma_wait3A_1042 = arith.constant 0 : i32
    %dma_wait3A_1043 = tpu.memref_slice %arg8[%add3A_959, %dma_wait3A_1041, %dma_wait3A_1042] : memref<1024x64x256xf32, #tpu.memory_space<hbm>> -> memref<2x64x256xf32, #tpu.memory_space<hbm>>
    %dma_wait3A_1044 = arith.constant 0 : i32
    %dma_wait3A_1045 = arith.constant 0 : i32
    %dma_wait3A_1046 = tpu.memref_slice %arg8[%add3A_959, %dma_wait3A_1044, %dma_wait3A_1045] : memref<1024x64x256xf32, #tpu.memory_space<hbm>> -> memref<2x64x256xf32, #tpu.memory_space<hbm>>
    %dma_wait3A_1047 = arith.constant 0 : i32
    %dma_wait3A_1048 = arith.constant 0 : i32
    %dma_wait3A_1049 = arith.constant 0 : i32
    %dma_wait3A_1050 = tpu.memref_slice %arg13[%dma_wait3A_1035, %dma_wait3A_1047, %dma_wait3A_1048, %dma_wait3A_1049] : memref<3x2x64x256xf32, #tpu.memory_space<vmem>> -> memref<1x2x64x256xf32, #tpu.memory_space<vmem>>
    %dma_wait3A_1051 = tpu.memref_squeeze %dma_wait3A_1050 : memref<1x2x64x256xf32, #tpu.memory_space<vmem>> -> memref<2x64x256xf32, #tpu.memory_space<vmem>>
    tpu.wait_dma2 semaphore(%arg16 : memref<!tpu.dma_semaphore, #tpu.memory_space<semaphore_mem>>) src(%dma_wait3A_1051 : memref<2x64x256xf32, #tpu.memory_space<vmem>>) dst(%dma_wait3A_1046 : memref<2x64x256xf32, #tpu.memory_space<hbm>>)
    %dma_wait3A_1052 = arith.constant 0 : i32
    %dma_wait3A_1053 = arith.constant 0 : i32
    %dma_wait3A_1054 = arith.constant 0 : i32
    %dma_wait3A_1055 = arith.constant 0 : i32
    %dma_wait3A_1056 = tpu.memref_slice %arg13[%dma_wait3A_1052, %dma_wait3A_1053, %dma_wait3A_1054, %dma_wait3A_1055] : memref<3x2x64x256xf32, #tpu.memory_space<vmem>> -> memref<1x2x64x256xf32, #tpu.memory_space<vmem>>
    %dma_wait3A_1057 = tpu.memref_squeeze %dma_wait3A_1056 : memref<1x2x64x256xf32, #tpu.memory_space<vmem>> -> memref<2x64x256xf32, #tpu.memory_space<vmem>>
    %dma_wait3A_1058 = arith.constant 0 : i32
    %dma_wait3A_1059 = arith.constant 0 : i32
    %dma_wait3A_1060 = tpu.memref_slice %arg8[%add3A_992, %dma_wait3A_1058, %dma_wait3A_1059] : memref<1024x64x256xf32, #tpu.memory_space<hbm>> -> memref<2x64x256xf32, #tpu.memory_space<hbm>>
    %dma_wait3A_1061 = arith.constant 0 : i32
    %dma_wait3A_1062 = arith.constant 0 : i32
    %dma_wait3A_1063 = tpu.memref_slice %arg8[%add3A_992, %dma_wait3A_1061, %dma_wait3A_1062] : memref<1024x64x256xf32, #tpu.memory_space<hbm>> -> memref<2x64x256xf32, #tpu.memory_space<hbm>>
    %dma_wait3A_1064 = arith.constant 0 : i32
    %dma_wait3A_1065 = arith.constant 0 : i32
    %dma_wait3A_1066 = arith.constant 0 : i32
    %dma_wait3A_1067 = tpu.memref_slice %arg13[%dma_wait3A_1052, %dma_wait3A_1064, %dma_wait3A_1065, %dma_wait3A_1066] : memref<3x2x64x256xf32, #tpu.memory_space<vmem>> -> memref<1x2x64x256xf32, #tpu.memory_space<vmem>>
    %dma_wait3A_1068 = tpu.memref_squeeze %dma_wait3A_1067 : memref<1x2x64x256xf32, #tpu.memory_space<vmem>> -> memref<2x64x256xf32, #tpu.memory_space<vmem>>
    tpu.wait_dma2 semaphore(%arg16 : memref<!tpu.dma_semaphore, #tpu.memory_space<semaphore_mem>>) src(%dma_wait3A_1068 : memref<2x64x256xf32, #tpu.memory_space<vmem>>) dst(%dma_wait3A_1063 : memref<2x64x256xf32, #tpu.memory_space<hbm>>)
    return
  }
}

</mosaic_0001>

<sc_bundles>
// kernel: kernel.3.cloned.1.call-start
scs
__scs_entry_jumppad:
0x0: {  	(pc) =	sbr.rel $0x88, $3  }
0x1: {  	(tag) =	ssettag $0x0;
	lr =	simm.s32 $0x1  }
0x2: {  	[smem:$0x3F9D] =	sst lr;
	_ =	strace $0xD0000000  }
0x3: {  	_ = 	snop  }
0x4: {  	_ = 	snop  }
0x5: {  	_ = 	snop  }
0x6: {  	_ = 	snop  }
0x7: {  	_ = 	snop  }
__scs_overlays_trampoline_lowered:
0x8: {  	[smem:$0x3FAC] =	sst s0  }
0x9: {  	[smem:$0x3FAD] =	sst s1  }
0xa: {  	[smem:$0x3FAE] =	sst s2  }
0xb: {  	[smem:$0x3FAF] =	sst s3  }
0xc: {  	[smem:$0x3FB0] =	sst s4  }
0xd: {  	[smem:$0x3FB1] =	sst s5  }
0xe: {  	[smem:$0x3FB2] =	sst s6  }
0xf: {  	[smem:$0x3FB3] =	sst s7  }
0x10: {  	[smem:$0x3FB4] =	sst s8  }
0x11: {  	[smem:$0x3FB5] =	sst s9;
	s0 =	simm.s32 @!p0 $0x0  }
0x12: {  	s1 =	sld [smem:$0x3F9B];
	s0 =	simm.s32 @p0 $0x1  }
0x13: {  	[smem:$0x3FB6] =	sst s0;
	s0 =	simm.s32 @!p1 $0x0  }
0x14: {  	s2 =	sld [smem:$0x3F9A];
	s0 =	simm.s32 @p1 $0x1  }
0x15: {  	[smem:$0x3FB7] =	sst s0;
	s0 =	simm.s32 @!p2 $0x0  }
0x16: {  	s3 =	sld [smem:$0x3FDB];
	s0 =	simm.s32 @p2 $0x1  }
0x17: {  	s4 =	simm.s32 $0x1BF5;
	[smem:$0x3FB9] =	sst s0  }
0x18: {  	s0 =	sld [smem:$0x3F9C];
	_ =	swait.ge [sflag:s4], $0x0  }
0x19: {  	s7 =	sld [smem:$0x3F9D]  }
0x1a: {  	s8 =	sadd.s32 $0xFFFFE003, lr  }
0x1b: {  	s9 =	sadd.s32 $0xFFFFFEF7, lr;
	s5 =	simm.s32 $0xFFFFFFFF;
	p2 =	slt.u32 s8, $0xFFFFF086  }
0x1c: {  	p1 =	slt.u32 s9, $0xF7A;
	s5 =	simm.s32 @!p2 $0x0  }
0x1d: {  	s5 =	simm.s32 @p1 $0x1;
	p0 =	seq.s32 s7, s2  }
0x1e: {  	s7 =	smul.u32 @!p0 $0xF7A, s2;
	p2 =	seq.s32 @!p0 s5, $0x0  }
0x1f: {  	s9 =	smul.u32 $0xF7A, s1;
	s8 =	simm.s32 @!p0 $0x1BF5;
	p2 =	por !p2, p0  }
0x20: {  	[sflag:s8] =	ssyncset.s32 @!p0 $0xFFFFF086;
	s6 =	sadd.s32 @!p0 s3, s7;
	s7 =	simm.s32 @!p0 $0x108  }
0x21: {  	s3 =	sadd.s32 s3, s9;
	s6 =	sadd.s32 @!p0 $0x88, s6;
	s7 =	simm.s32 @p2 $0x1082  }
0x22: {  	[simem:s7], [sflag:s8] =	dma.local @!p0 [hbm:s6], $0xF7A  }
0x23: {  	s9 =	sor.u32 $0xD0000000, s2;
	s6 =	simm.s32 $0x108;
	_ =	swait.ge @!p0 [sflag:s8], $0x0  }
0x24: {  	s3 =	sadd.s32 $0x88, s3;
	s6 =	simm.s32 @!p1 $0x1082;
	[sflag:s4] =	ssyncset.s32 $0xFFFFF086  }
0x25: {  	[simem:s6], [sflag:s4] =	dma.local [hbm:s3], $0xF7A  }
0x26: {  	[smem:$0x3F9D] =	sst s1;
	(tag) =	ssettag s2;
	_ =	strace s9  }
0x27: {  	s1 =	sld [smem:$0x3FAD]  }
0x28: {  	s2 =	sld [smem:$0x3FAE]  }
0x29: {  	s4 =	sld [smem:$0x3FB0]  }
0x2a: {  	p0 =	seq.s32 s5, $0x0;
	s5 =	sld [smem:$0x3FB1]  }
0x2b: {  	s6 =	sld [smem:$0x3FB2]  }
0x2c: {  	s7 =	sld [smem:$0x3FB3]  }
0x2d: {  	s3 =	simm.s32 $0x108;
	s8 =	sld [smem:$0x3FB4]  }
0x2e: {  	s3 =	simm.s32 @!p0 $0x1082;
	s9 =	sld [smem:$0x3FB5]  }
0x2f: {  	lr =	sadd.s32 s0, s3;
	s0 =	sld [smem:$0x3FAC]  }
0x30: {  	s3 =	sld [smem:$0x3FAF]  }
0x31: {  	[smem:$0x3FB8] =	sst s10  }
0x32: {  	s10 =	sld [smem:$0x3FB6];
	_ =	sdelay $0x3  }
0x33: {  	p0 =	seq.s32 s10, $0x1;
	s10 =	sld [smem:$0x3FB8];
	_ =	sdelay $0x3  }
0x34: {  	[smem:$0x3FB8] =	sst s10  }
0x35: {  	s10 =	sld [smem:$0x3FB7];
	_ =	sdelay $0x3  }
0x36: {  	p1 =	seq.s32 s10, $0x1;
	s10 =	sld [smem:$0x3FB8];
	_ =	sdelay $0x3  }
0x37: {  	[smem:$0x3FB8] =	sst s10  }
0x38: {  	s10 =	sld [smem:$0x3FB9]  }
0x39: {  	_ = 	snop;
	(pc) =	sbr.ind lr, $3  }
0x3a: {  	_ = 	snop  }
0x3b: {  	_ = 	snop  }
0x3c: {  	p2 =	seq.s32 s10, $0x1;
	s10 =	sld [smem:$0x3FB8]  }
0x3d: {  	_ =	shalt  }
0x3e: {  	_ =	shalt  }
0x3f: {  	_ =	shalt  }
0x40: {  	_ =	shalt  }
0x41: {  	_ =	shalt  }
0x42: {  	_ =	shalt  }
0x43: {  	_ =	shalt  }
0x44: {  	_ =	shalt  }
0x45: {  	_ =	shalt  }
0x46: {  	_ =	shalt  }
0x47: {  	_ =	shalt  }
0x48: {  	_ =	shalt  }
0x49: {  	_ =	shalt  }
0x4a: {  	_ =	shalt  }
0x4b: {  	_ =	shalt  }
0x4c: {  	_ =	shalt  }
0x4d: {  	_ =	shalt  }
0x4e: {  	_ =	shalt  }
0x4f: {  	_ =	shalt  }
0x50: {  	_ =	shalt  }
0x51: {  	_ =	shalt  }
0x52: {  	_ =	shalt  }
0x53: {  	_ =	shalt  }
0x54: {  	_ =	shalt  }
0x55: {  	_ =	shalt  }
0x56: {  	_ =	shalt  }
0x57: {  	_ =	shalt  }
0x58: {  	_ =	shalt  }
0x59: {  	_ =	shalt  }
0x5a: {  	_ =	shalt  }
0x5b: {  	_ =	shalt  }
0x5c: {  	_ =	shalt  }
0x5d: {  	_ =	shalt  }
0x5e: {  	_ =	shalt  }
0x5f: {  	_ =	shalt  }
0x60: {  	_ =	shalt  }
0x61: {  	_ =	shalt  }
0x62: {  	_ =	shalt  }
0x63: {  	_ =	shalt  }
0x64: {  	_ =	shalt  }
0x65: {  	_ =	shalt  }
0x66: {  	_ =	shalt  }
0x67: {  	_ =	shalt  }
0x68: {  	_ =	shalt  }
0x69: {  	_ =	shalt  }
0x6a: {  	_ =	shalt  }
0x6b: {  	_ =	shalt  }
0x6c: {  	_ =	shalt  }
0x6d: {  	_ =	shalt  }
0x6e: {  	_ =	shalt  }
0x6f: {  	_ =	shalt  }
0x70: {  	_ =	shalt  }
0x71: {  	_ =	shalt  }
0x72: {  	_ =	shalt  }
0x73: {  	_ =	shalt  }
0x74: {  	_ =	shalt  }
0x75: {  	_ =	shalt  }
0x76: {  	_ =	shalt  }
0x77: {  	_ =	shalt  }
0x78: {  	_ =	shalt  }
0x79: {  	_ =	shalt  }
0x7a: {  	_ =	shalt  }
0x7b: {  	_ =	shalt  }
0x7c: {  	_ =	shalt  }
0x7d: {  	_ =	shalt  }
0x7e: {  	_ =	shalt  }
0x7f: {  	_ =	shalt  }
0x80: {  	_ =	shalt  }
0x81: {  	_ =	shalt  }
0x82: {  	_ =	shalt  }
0x83: {  	_ =	shalt  }
0x84: {  	_ =	shalt  }
0x85: {  	_ =	shalt  }
0x86: {  	_ =	shalt  }
0x87: {  	_ =	shalt  }
.Lfunc_end0:
.L_simem_size_0:
called_computation_lowered:
.L_overlay_start_0:
0x88: {  	s2 =	sld [smem:$0x3FD9]  }
0x89: {  	s3 =	sld [smem:$0x3FFE];
	_ =	sdelay $0x1  }
0x8a: {  	s1 =	srdreg.scid  }
0x8b: {  	s0 =	sand.u32 $0x1, s1  }
0x8c: {  	s14 =	sshll.u32 s0, $0xA;
	s2 =	sadd.s32 s3, s2  }
0x8d: {  	s2 =	sadd.s32 s2, s14  }
0x8e: {  	[smem:$0x3FC4] =	sst s2  }
0x8f: {  	_ = 	snop  }
0x90: {  	s2 =	sld [smem:$0x3FC9]  }
0x91: {  	s15 =	sld [smem:$0x3FD0]  }
0x92: {  	s4 =	sld [smem:$0x3FC8]  }
0x93: {  	s5 =	sld [smem:$0x3FC7]  }
0x94: {  	s7 =	simm.s32 $0xA;
	s8 =	simm.s32 $0x10;
	s6 =	sld [smem:$0x3FC6]  }
0x95: {  	[smem:s8], [sflag:s7] =	dma.local [hbm:s15], $0x1  }
0x96: {  	_ =	swait.eq [sflag:s7], $0x1  }
0x97: {  	s16 =	sld [smem:$0x10];
	[sflag:s7] =	ssyncset.done $0x0  }
0x98: {  	s17 =	sld [smem:$0x11];
	[sflag:s7] =	ssyncadd.s32 $0xFFFFFFFF  }
0x99: {  	s18 =	sld [smem:$0x12];
	(tm) =	ssettm $0x1  }
0x9a: {  	s9 =	sld [smem:$0x3FFB];
	_ =	sdelay $0x3  }
0x9b: {  	_ =	strace s9  }
0x9c: {  	s9 =	sld [smem:$0x3FFC];
	_ =	sdelay $0x3  }
0x9d: {  	_ =	strace s9  }
0x9e: {  	s9 =	sld [smem:$0x3FFD];
	_ =	sdelay $0x3  }
0x9f: {  	_ =	strace s9  }
0xa0: {  	_ =	strace $0x8FFFFFFF  }
0xa1: {  	s19 =	sld [smem:$0x3FDB];
	_ =	sdelay $0x1  }
0xa2: {  	s10 =	simm.s32 $_scs_section_size  }
0xa3: {  	s11 =	simm.s32 $_size__tile_overlayer_lowered;
	s12 =	simm.s32 $_tile_overlayer_lowered  }
0xa4: {  	s22 =	simm.s32 $0x1BFF;
	s21 =	sshll.u32 s12, $0x1;
	s9 =	sadd.s32 s10, s19  }
0xa5: {  	s13 =	simm.s32 $0x0;
	s20 =	sshll.u32 s11, $0x1;
	s11 =	sadd.s32 s21, s9  }
0xa6: {  	[timem:s13], [sflag:s22] =	dma.local [hbm:s11], s20  }
0xa7: {  	_ =	swait.ge [sflag:s22], s20  }
0xa8: {  	s10 =	ssub.s32 $0x0, s20;
	[sflag:s22] =	ssyncset.done $0x0  }
0xa9: {  	[sflag:s22] =	ssyncadd.s32 s10;
	_ =	sdelay $0x1  }
0xaa: {  	s23 =	simm.s32 $0x1B8B  }
0xab: {  	_ =	swait.ge [sflag:s23], $0x1  }
0xac: {  	[sflag:s23] =	ssyncset.done $0x0  }
0xad: {  	s25 =	simm.s32 $0x1B8E;
	s24 =	sld [smem:$0x3FFE];
	[sflag:s23] =	ssyncadd.s32 $0xFFFFFFFF  }
0xae: {  	s26 =	simm.s32 $execute0_lowered;
	[smem:$0x3FD2] =	sst s25  }
0xaf: {  	s11 =	sshll.u32 s26, $0x1;
	_ =	strace $0x80000046;
	[dreg:$0x1] =	wrdreg $0xFFFFFFFF  }
0xb0: {  	s28 =	simm.s32 $_size_execute0_lowered;
	s9 =	sadd.s32 s9, s11;
	[dreg:$0x0] =	wrdreg $0x0  }
0xb1: {  	s11 =	sshll.u32 s28, $0x1;
	[dreg:$0x2] =	wrdreg s9  }
0xb2: {  	[dreg:$0x3] =	wrdreg s11  }
0xb3: {  	[dreg:$0x4] =	wrdreg $0xC0  }
0xb4: {  	_ =	task [dreg:s13], $0x5FFFF  }
0xb5: {  	[dreg:$0x1] =	wrdreg $0xFFFFFFFF  }
0xb6: {  	[dreg:$0x0] =	wrdreg $0x60  }
0xb7: {  	[dreg:$0x2] =	wrdreg s2  }
0xb8: {  	[dreg:$0x3] =	wrdreg s24  }
0xb9: {  	[dreg:$0x4] =	wrdreg s4  }
0xba: {  	[dreg:$0x5] =	wrdreg s5  }
0xbb: {  	[dreg:$0x6] =	wrdreg s6  }
0xbc: {  	[dreg:$0x7] =	wrdreg s16  }
0xbd: {  	[dreg:$0x8] =	wrdreg s17  }
0xbe: {  	[dreg:$0x9] =	wrdreg s18  }
0xbf: {  	[dreg:$0xa] =	wrdreg $0x9  }
0xc0: {  	_ =	task.clear_ibuf [dreg:s13], $0xBFFFF;
	_ =	strace $0x90000046  }
0xc1: {  	s29 =	simm.s32 $0x9;
	_ =	strace $0x80000048  }
0xc2: {  	_ =	swait.ge [sflag:s29], $0x1  }
0xc3: {  	[sflag:s29] =	ssyncadd.s32 $0xFFFFFFFF  }
0xc4: {  	_ =	strace $0x90000048  }
0xc5: {  	_ =	sfence  }
0xc6: {  	s30 =	sld [smem:$0x0];
	_ =	sdelay $0x2  }
0xc7: {  	s31 =	sshll.u32 s1, $0xD;
	s1 =	sshrl.u32 s1, $0x2  }
0xc8: {  	s3 =	sand.u32 $0x4000, s31;
	s1 =	sadd.s32 s1, s30  }
0xc9: {  	s0 =	sor.u32 s3, s0;
	s1 =	sshll.u32 s1, $0x11  }
0xca: {  	s0 =	sor.u32 s1, s0  }
0xcb: {  	s0 =	sadd.s32 $0x8F2B, s0  }
0xcc: {  	[sflag:s0] =	ssyncadd.remote.s32 $0x1  }
0xcd: {  	_ =	sfence.sel $0xFFFF  }
0xce: {  	[dreg:$0x0] =	wrdreg $0xFFFFFFFF;
	(pc) =	sbr.abs _section_cstart, $3  }
0xcf: {  	[dreg:$0x1] =	wrdreg $0xFFFFFFFF  }
0xd0: {  	_ =	task.clear_ibuf [dreg:s13], $0x2FFFF;
	_ =	strace $0x9FFFFFFF  }
0xd1: {  	(tm) =	ssettm $0x7FFFFFFF  }
tec
execute0_lowered:
.L_overlay_start_1:
0x0: {  	(tag) =	ssettag $0x1  }
0x1: {  	s2 =	rddreg [dreg:$0x0]  }
0x2: {  	s5 =	rddreg [dreg:$0x1]  }
0x3: {  	s0 =	rddreg [dreg:$0x2]  }
0x4: {  	s1 =	rddreg [dreg:$0x3]  }
0x5: {  	s3 =	rddreg [dreg:$0x4]  }
0x6: {  	s16 =	rddreg [dreg:$0x5]  }
0x7: {  	s6 =	rddreg [dreg:$0x6]  }
0x8: {  	s17 =	rddreg [dreg:$0x7]  }
0x9: {  	s4 =	srdreg.scid;
	s13 =	stileid.u32  }
0xa: {  	s28 =	simm.s32 $0x2880;
	s29 =	simm.s32 $0x20;
	s30 =	simm.s32 $0x1C880  }
0xb: {  	s31 =	simm.s32 $0x2;
	[dreg:$0x9] =	wrdreg s3;
	s7 =	sand.u32 $0x1, s4  }
0xc: {  	s4 =	simm.s32 $0x0;
	s8 =	sshll.u32 s13, $0x6;
	s9 =	sshll.u32 s7, $0x5  }
0xd: {  	[smem:$0x7FF] =	sst s4;
	s22 =	ssub.s32 $0x2, s7;
	s18 =	sor.u32 s9, s8  }
0xe: {  	_ =	strace $0x80000047;
	s7 =	sshrl.u32 s22, $0x1;
	s8 =	sshll.u32 s18, $0x3  }
0xf: {  	s9 =	sshrl.u32 s18, $0x3;
	s14 =	sshll.u32 s18, $0xB;
	s25 =	sshll.u32 s18, $0x6  }
0x10: {  	s26 =	sshll.u32 s18, $0x5;
	s5 =	sadd.s32 s8, s5;
	s2 =	sadd.s32 s2, s9  }
0x11: {  	s16 =	sadd.s32 s16, s25;
	s17 =	sadd.s32 s17, s26;
	s25 =	simm.s32 $0x14880  }
0x12: {  	s26 =	simm.s32 $0x880;
	[dreg:$0xa] =	wrdreg s2;
	s15 =	sadd.s32 $0x800, s5  }
0x13: {  	s5 =	sadd.s32 s6, s14;
	s2 =	simm.s32 $0x5;
	[dreg:$0xb] =	wrdreg s15  }
0x14: {  	s19 =	sadd.s32 $0x1000, s5;
	s20 =	sadd.s32 $0x2000, s5;
	s21 =	sadd.s32 $0x3000, s5  }
0x15: {  	s23 =	sadd.s32 $0x4000, s5;
	s24 =	sadd.s32 $0x5000, s5;
	s6 =	sadd.s32 $0x6000, s5  }
0x16: {  	s8 =	sadd.s32 $0x8000, s5;
	s9 =	sadd.s32 $0x9000, s5;
	[dreg:$0xc] =	wrdreg s19  }
0x17: {  	s10 =	sadd.s32 $0xA000, s5;
	s11 =	sadd.s32 $0xB000, s5;
	[dreg:$0xd] =	wrdreg s20  }
0x18: {  	s12 =	sadd.s32 $0xC000, s5;
	s13 =	sadd.s32 $0xD000, s5;
	[dreg:$0xe] =	wrdreg s21  }
0x19: {  	s14 =	sadd.s32 $0xE000, s5;
	s15 =	sadd.s32 $0xF000, s5;
	[dreg:$0xf] =	wrdreg s23  }
0x1a: {  	s19 =	ssub.s32 s22, s7;
	[dreg:$0x10] =	wrdreg s24;
	s7 =	sadd.s32 $0x7000, s5  }
0x1b: {  	s20 =	simm.s32 $0x3;
	s21 =	simm.s32 $0x4;
	s22 =	simm.s32 $0x4880  }
0x1c: {  	vm0 =	vmmov $0x3;
	v0 =	vlaneseq.u32;
	vm1 =	vmmov $0xffff;
	s23 =	simm.s32 $0xC880;
	s24 =	simm.s32 $0x1;
	s18 =	smax.u32 s19, $0x1  }
.LBB2_1:
0x1d: {  	s3 =	rddreg [dreg:$0xa]  }
0x1e: {  	[tilespmem:s4], [sflag:$0x3] =	stream.linear.gather [hbm4b:s3+s4], $0x20, $0x38;
	[tilespmem:$0x1E880] =	vst v63  }
0x1f: {  	s19 =	rddreg [dreg:$0xb];
	s3 =	simm.s32 $0x80  }
0x20: {  	[tilespmem:s3], [sflag:$0x4] =	stream.linear.gather [hbm4b:s19+s4], $0x800, $0x38;
	[tilespmem:$0x1E880] =	vst v63  }
0x21: {  	_ =	swait.ge [sflag:s20], $0x20  }
0x22: {  	[sflag:s20] =	ssyncset.done $0x0  }
0x23: {  	[sflag:s20] =	ssyncadd.s32 $0xFFFFFFE0  }
0x24: {  	_ =	swait.ge [sflag:s21], $0x800  }
0x25: {  	[sflag:s21] =	ssyncset.done $0x0  }
0x26: {  	[sflag:s21] =	ssyncadd.s32 $0xFFFFF800  }
0x27: {  	v1 =	vld.msk [tilespmem:$0x80], $0x3;
	_ =	sdelay $0x4  }
0x28: {  	v1 =	vshll.u32 v1, $0xE  }
0x29: {  	v1 =	vperm.xlane v1, v0;
	_ =	sdelay $0x5  }
0x2a: {  	[tilespmem:s22], [sflag:$0x1] =	stream.indirect_vreg.gather [hbm4b:s1+s4], $0x4000, v1, vm0, $0x38;
	[tilespmem:$0x1E880] =	vst v63  }
0x2b: {  	v1 =	vld.msk [tilespmem:$0x100], $0x3;
	_ =	sdelay $0x4  }
0x2c: {  	v1 =	vshll.u32 v1, $0xE  }
0x2d: {  	v1 =	vperm.xlane v1, v0;
	_ =	sdelay $0x5  }
0x2e: {  	[tilespmem:s23], [sflag:$0x1] =	stream.indirect_vreg.gather [hbm4b:s1+s4], $0x4000, v1, vm0, $0x38;
	[tilespmem:$0x1E880] =	vst v63  }
0x2f: {  	_ =	swait.ge [sflag:s24], $0x8000  }
0x30: {  	[sflag:s24] =	ssyncset.done $0x0  }
0x31: {  	[sflag:s24] =	ssyncadd.s32 $0xFFFF8000  }
0x32: {  	[hbm4b:s5+s4] =	stream.linear.scatter [tilespmem:s22], [sflag:$0x2], $0x8000, $0x38;
	[tilespmem:$0x1E880] =	vst v63  }
0x33: {  	v1 =	vld.msk [tilespmem:$0x180], $0x3;
	_ =	sdelay $0x4  }
0x34: {  	v1 =	vshll.u32 v1, $0xE  }
0x35: {  	v1 =	vperm.xlane v1, v0;
	_ =	sdelay $0x5  }
0x36: {  	[tilespmem:s25], [sflag:$0x1] =	stream.indirect_vreg.gather [hbm4b:s1+s4], $0x4000, v1, vm0, $0x38;
	[tilespmem:$0x1E880] =	vst v63  }
0x37: {  	v1 =	vld [tilespmem:$0x0];
	_ =	sdelay $0x4  }
0x38: {  	v1 =	vshll.u32 v1, $0x9  }
0x39: {  	v1 =	vperm.xlane v1, v0;
	_ =	sdelay $0x5  }
0x3a: {  	[tilespmem:s26], [sflag:$0x3] =	stream.indirect_vreg.gather [hbm4b:s0+s4], $0x200, v1, vm1, $0x38;
	[tilespmem:$0x1E880] =	vst v63  }
0x3b: {  	v1 =	vld [tilespmem:$0x10];
	_ =	sdelay $0x4  }
0x3c: {  	v1 =	vshll.u32 v1, $0x9  }
0x3d: {  	v1 =	vperm.xlane v1, v0;
	_ =	sdelay $0x5  }
0x3e: {  	[tilespmem:s28], [sflag:$0x3] =	stream.indirect_vreg.gather [hbm4b:s0+s4], $0x200, v1, vm1, $0x38;
	[tilespmem:$0x1E880] =	vst v63  }
0x3f: {  	s19 =	rddreg [dreg:$0x9]  }
0x40: {  	[tilespmem:s30], [sflag:$0x4] =	stream.indirect.gather [hbm4b:s19+s29], $0x100, s4, s29, $0xb8;
	[tilespmem:$0x1E880] =	vst v63  }
0x41: {  	_ =	swait.ge [sflag:s24], $0x8000  }
0x42: {  	[sflag:s24] =	ssyncset.done $0x0  }
0x43: {  	s19 =	rddreg [dreg:$0xc];
	[sflag:s24] =	ssyncadd.s32 $0xFFFF8000  }
0x44: {  	[hbm4b:s19+s4] =	stream.linear.scatter [tilespmem:s23], [sflag:$0x2], $0x8000, $0x38;
	[tilespmem:$0x1E880] =	vst v63  }
0x45: {  	_ =	swait.ge [sflag:s31], $0x8000  }
0x46: {  	[sflag:s31] =	ssyncset.done $0x0  }
0x47: {  	[sflag:s31] =	ssyncadd.s32 $0xFFFF8000  }
0x48: {  	v1 =	vld.msk [tilespmem:$0x200], $0x3;
	_ =	sdelay $0x4  }
0x49: {  	v1 =	vshll.u32 v1, $0xE  }
0x4a: {  	v1 =	vperm.xlane v1, v0;
	_ =	sdelay $0x5  }
0x4b: {  	[tilespmem:s22], [sflag:$0x1] =	stream.indirect_vreg.gather [hbm4b:s1+s4], $0x4000, v1, vm0, $0x38;
	[tilespmem:$0x1E880] =	vst v63  }
0x4c: {  	_ =	swait.ge [sflag:s24], $0x8000  }
0x4d: {  	[sflag:s24] =	ssyncset.done $0x0  }
0x4e: {  	s19 =	rddreg [dreg:$0xd];
	[sflag:s24] =	ssyncadd.s32 $0xFFFF8000  }
0x4f: {  	[hbm4b:s19+s4] =	stream.linear.scatter [tilespmem:s25], [sflag:$0x2], $0x8000, $0x38;
	[tilespmem:$0x1E880] =	vst v63  }
0x50: {  	_ =	swait.ge [sflag:s31], $0x8000  }
0x51: {  	[sflag:s31] =	ssyncset.done $0x0  }
0x52: {  	[sflag:s31] =	ssyncadd.s32 $0xFFFF8000  }
0x53: {  	v1 =	vld.msk [tilespmem:$0x280], $0x3;
	_ =	sdelay $0x4  }
0x54: {  	v1 =	vshll.u32 v1, $0xE  }
0x55: {  	v1 =	vperm.xlane v1, v0;
	_ =	sdelay $0x5  }
0x56: {  	[tilespmem:s23], [sflag:$0x1] =	stream.indirect_vreg.gather [hbm4b:s1+s4], $0x4000, v1, vm0, $0x38;
	[tilespmem:$0x1E880] =	vst v63  }
0x57: {  	_ =	swait.ge [sflag:s24], $0x8000  }
0x58: {  	[sflag:s24] =	ssyncset.done $0x0  }
0x59: {  	s19 =	rddreg [dreg:$0xe];
	[sflag:s24] =	ssyncadd.s32 $0xFFFF8000  }
0x5a: {  	[hbm4b:s19+s4] =	stream.linear.scatter [tilespmem:s22], [sflag:$0x2], $0x8000, $0x38;
	[tilespmem:$0x1E880] =	vst v63  }
0x5b: {  	_ =	swait.ge [sflag:s31], $0x8000  }
0x5c: {  	[sflag:s31] =	ssyncset.done $0x0  }
0x5d: {  	[sflag:s31] =	ssyncadd.s32 $0xFFFF8000  }
0x5e: {  	v1 =	vld.msk [tilespmem:$0x300], $0x3;
	_ =	sdelay $0x4  }
0x5f: {  	v1 =	vshll.u32 v1, $0xE  }
0x60: {  	v1 =	vperm.xlane v1, v0;
	_ =	sdelay $0x5  }
0x61: {  	[tilespmem:s25], [sflag:$0x1] =	stream.indirect_vreg.gather [hbm4b:s1+s4], $0x4000, v1, vm0, $0x38;
	[tilespmem:$0x1E880] =	vst v63  }
0x62: {  	_ =	swait.ge [sflag:s24], $0x8000  }
0x63: {  	[sflag:s24] =	ssyncset.done $0x0  }
0x64: {  	s19 =	rddreg [dreg:$0xf];
	[sflag:s24] =	ssyncadd.s32 $0xFFFF8000  }
0x65: {  	[hbm4b:s19+s4] =	stream.linear.scatter [tilespmem:s23], [sflag:$0x2], $0x8000, $0x38;
	[tilespmem:$0x1E880] =	vst v63  }
0x66: {  	_ =	swait.ge [sflag:s31], $0x8000  }
0x67: {  	[sflag:s31] =	ssyncset.done $0x0  }
0x68: {  	[sflag:s31] =	ssyncadd.s32 $0xFFFF8000  }
0x69: {  	v1 =	vld.msk [tilespmem:$0x380], $0x3;
	_ =	sdelay $0x4  }
0x6a: {  	v1 =	vshll.u32 v1, $0xE  }
0x6b: {  	v1 =	vperm.xlane v1, v0;
	_ =	sdelay $0x5  }
0x6c: {  	[tilespmem:s22], [sflag:$0x1] =	stream.indirect_vreg.gather [hbm4b:s1+s4], $0x4000, v1, vm0, $0x38;
	[tilespmem:$0x1E880] =	vst v63  }
0x6d: {  	_ =	swait.ge [sflag:s24], $0x8000  }
0x6e: {  	[sflag:s24] =	ssyncset.done $0x0  }
0x6f: {  	s19 =	rddreg [dreg:$0x10];
	[sflag:s24] =	ssyncadd.s32 $0xFFFF8000  }
0x70: {  	[hbm4b:s19+s4] =	stream.linear.scatter [tilespmem:s25], [sflag:$0x2], $0x8000, $0x38;
	[tilespmem:$0x1E880] =	vst v63  }
0x71: {  	_ =	swait.ge [sflag:s31], $0x8000  }
0x72: {  	[sflag:s31] =	ssyncset.done $0x0  }
0x73: {  	[sflag:s31] =	ssyncadd.s32 $0xFFFF8000  }
0x74: {  	v1 =	vld.msk [tilespmem:$0x400], $0x3;
	_ =	sdelay $0x4  }
0x75: {  	v1 =	vshll.u32 v1, $0xE  }
0x76: {  	v1 =	vperm.xlane v1, v0;
	_ =	sdelay $0x5  }
0x77: {  	[tilespmem:s23], [sflag:$0x1] =	stream.indirect_vreg.gather [hbm4b:s1+s4], $0x4000, v1, vm0, $0x38;
	[tilespmem:$0x1E880] =	vst v63  }
0x78: {  	_ =	swait.ge [sflag:s24], $0x8000  }
0x79: {  	[sflag:s24] =	ssyncset.done $0x0  }
0x7a: {  	[sflag:s24] =	ssyncadd.s32 $0xFFFF8000  }
0x7b: {  	[hbm4b:s6+s4] =	stream.linear.scatter [tilespmem:s22], [sflag:$0x2], $0x8000, $0x38;
	[tilespmem:$0x1E880] =	vst v63  }
0x7c: {  	_ =	swait.ge [sflag:s31], $0x8000  }
0x7d: {  	[sflag:s31] =	ssyncset.done $0x0  }
0x7e: {  	[sflag:s31] =	ssyncadd.s32 $0xFFFF8000  }
0x7f: {  	v1 =	vld.msk [tilespmem:$0x480], $0x3;
	_ =	sdelay $0x4  }
0x80: {  	v1 =	vshll.u32 v1, $0xE  }
0x81: {  	v1 =	vperm.xlane v1, v0;
	_ =	sdelay $0x5  }
0x82: {  	[tilespmem:s25], [sflag:$0x1] =	stream.indirect_vreg.gather [hbm4b:s1+s4], $0x4000, v1, vm0, $0x38;
	[tilespmem:$0x1E880] =	vst v63  }
0x83: {  	_ =	swait.ge [sflag:s24], $0x8000  }
0x84: {  	[sflag:s24] =	ssyncset.done $0x0  }
0x85: {  	[sflag:s24] =	ssyncadd.s32 $0xFFFF8000  }
0x86: {  	[hbm4b:s7+s4] =	stream.linear.scatter [tilespmem:s23], [sflag:$0x2], $0x8000, $0x38;
	[tilespmem:$0x1E880] =	vst v63  }
0x87: {  	_ =	swait.ge [sflag:s31], $0x8000  }
0x88: {  	[sflag:s31] =	ssyncset.done $0x0  }
0x89: {  	[sflag:s31] =	ssyncadd.s32 $0xFFFF8000  }
0x8a: {  	v1 =	vld.msk [tilespmem:$0x500], $0x3;
	_ =	sdelay $0x4  }
0x8b: {  	v1 =	vshll.u32 v1, $0xE  }
0x8c: {  	v1 =	vperm.xlane v1, v0;
	_ =	sdelay $0x5  }
0x8d: {  	[tilespmem:s22], [sflag:$0x1] =	stream.indirect_vreg.gather [hbm4b:s1+s4], $0x4000, v1, vm0, $0x38;
	[tilespmem:$0x1E880] =	vst v63  }
0x8e: {  	_ =	swait.ge [sflag:s24], $0x8000  }
0x8f: {  	[sflag:s24] =	ssyncset.done $0x0  }
0x90: {  	[sflag:s24] =	ssyncadd.s32 $0xFFFF8000  }
0x91: {  	[hbm4b:s8+s4] =	stream.linear.scatter [tilespmem:s25], [sflag:$0x2], $0x8000, $0x38;
	[tilespmem:$0x1E880] =	vst v63  }
0x92: {  	_ =	swait.ge [sflag:s31], $0x8000  }
0x93: {  	[sflag:s31] =	ssyncset.done $0x0  }
0x94: {  	[sflag:s31] =	ssyncadd.s32 $0xFFFF8000  }
0x95: {  	v1 =	vld.msk [tilespmem:$0x580], $0x3;
	_ =	sdelay $0x4  }
0x96: {  	v1 =	vshll.u32 v1, $0xE  }
0x97: {  	v1 =	vperm.xlane v1, v0;
	_ =	sdelay $0x5  }
0x98: {  	[tilespmem:s23], [sflag:$0x1] =	stream.indirect_vreg.gather [hbm4b:s1+s4], $0x4000, v1, vm0, $0x38;
	[tilespmem:$0x1E880] =	vst v63  }
0x99: {  	_ =	swait.ge [sflag:s24], $0x8000  }
0x9a: {  	[sflag:s24] =	ssyncset.done $0x0  }
0x9b: {  	[sflag:s24] =	ssyncadd.s32 $0xFFFF8000  }
0x9c: {  	[hbm4b:s9+s4] =	stream.linear.scatter [tilespmem:s22], [sflag:$0x2], $0x8000, $0x38;
	[tilespmem:$0x1E880] =	vst v63  }
0x9d: {  	_ =	swait.ge [sflag:s31], $0x8000  }
0x9e: {  	[sflag:s31] =	ssyncset.done $0x0  }
0x9f: {  	[sflag:s31] =	ssyncadd.s32 $0xFFFF8000  }
0xa0: {  	v1 =	vld.msk [tilespmem:$0x600], $0x3;
	_ =	sdelay $0x4  }
0xa1: {  	v1 =	vshll.u32 v1, $0xE  }
0xa2: {  	v1 =	vperm.xlane v1, v0;
	_ =	sdelay $0x5  }
0xa3: {  	[tilespmem:s25], [sflag:$0x1] =	stream.indirect_vreg.gather [hbm4b:s1+s4], $0x4000, v1, vm0, $0x38;
	[tilespmem:$0x1E880] =	vst v63  }
0xa4: {  	_ =	swait.ge [sflag:s24], $0x8000  }
0xa5: {  	[sflag:s24] =	ssyncset.done $0x0  }
0xa6: {  	[sflag:s24] =	ssyncadd.s32 $0xFFFF8000  }
0xa7: {  	[hbm4b:s10+s4] =	stream.linear.scatter [tilespmem:s23], [sflag:$0x2], $0x8000, $0x38;
	[tilespmem:$0x1E880] =	vst v63  }
0xa8: {  	_ =	swait.ge [sflag:s31], $0x8000  }
0xa9: {  	[sflag:s31] =	ssyncset.done $0x0  }
0xaa: {  	[sflag:s31] =	ssyncadd.s32 $0xFFFF8000  }
0xab: {  	v1 =	vld.msk [tilespmem:$0x680], $0x3;
	_ =	sdelay $0x4  }
0xac: {  	v1 =	vshll.u32 v1, $0xE  }
0xad: {  	v1 =	vperm.xlane v1, v0;
	_ =	sdelay $0x5  }
0xae: {  	[tilespmem:s22], [sflag:$0x1] =	stream.indirect_vreg.gather [hbm4b:s1+s4], $0x4000, v1, vm0, $0x38;
	[tilespmem:$0x1E880] =	vst v63  }
0xaf: {  	_ =	swait.ge [sflag:s24], $0x8000  }
0xb0: {  	[sflag:s24] =	ssyncset.done $0x0  }
0xb1: {  	[sflag:s24] =	ssyncadd.s32 $0xFFFF8000  }
0xb2: {  	[hbm4b:s11+s4] =	stream.linear.scatter [tilespmem:s25], [sflag:$0x2], $0x8000, $0x38;
	[tilespmem:$0x1E880] =	vst v63  }
0xb3: {  	_ =	swait.ge [sflag:s31], $0x8000  }
0xb4: {  	[sflag:s31] =	ssyncset.done $0x0  }
0xb5: {  	[sflag:s31] =	ssyncadd.s32 $0xFFFF8000  }
0xb6: {  	v1 =	vld.msk [tilespmem:$0x700], $0x3;
	_ =	sdelay $0x4  }
0xb7: {  	v1 =	vshll.u32 v1, $0xE  }
0xb8: {  	v1 =	vperm.xlane v1, v0;
	_ =	sdelay $0x5  }
0xb9: {  	[tilespmem:s23], [sflag:$0x1] =	stream.indirect_vreg.gather [hbm4b:s1+s4], $0x4000, v1, vm0, $0x38;
	[tilespmem:$0x1E880] =	vst v63  }
0xba: {  	_ =	swait.ge [sflag:s24], $0x8000  }
0xbb: {  	[sflag:s24] =	ssyncset.done $0x0  }
0xbc: {  	[sflag:s24] =	ssyncadd.s32 $0xFFFF8000  }
0xbd: {  	[hbm4b:s12+s4] =	stream.linear.scatter [tilespmem:s22], [sflag:$0x2], $0x8000, $0x38;
	[tilespmem:$0x1E880] =	vst v63  }
0xbe: {  	_ =	swait.ge [sflag:s31], $0x8000  }
0xbf: {  	[sflag:s31] =	ssyncset.done $0x0  }
0xc0: {  	[sflag:s31] =	ssyncadd.s32 $0xFFFF8000  }
0xc1: {  	v1 =	vld.msk [tilespmem:$0x780], $0x3;
	_ =	sdelay $0x4  }
0xc2: {  	v1 =	vshll.u32 v1, $0xE  }
0xc3: {  	v1 =	vperm.xlane v1, v0;
	_ =	sdelay $0x5  }
0xc4: {  	[tilespmem:s25], [sflag:$0x1] =	stream.indirect_vreg.gather [hbm4b:s1+s4], $0x4000, v1, vm0, $0x38;
	[tilespmem:$0x1E880] =	vst v63  }
0xc5: {  	_ =	swait.ge [sflag:s24], $0x8000  }
0xc6: {  	[sflag:s24] =	ssyncset.done $0x0  }
0xc7: {  	[sflag:s24] =	ssyncadd.s32 $0xFFFF8000  }
0xc8: {  	[hbm4b:s13+s4] =	stream.linear.scatter [tilespmem:s23], [sflag:$0x2], $0x8000, $0x38;
	[tilespmem:$0x1E880] =	vst v63  }
0xc9: {  	_ =	swait.ge [sflag:s31], $0x8000  }
0xca: {  	[sflag:s31] =	ssyncset.done $0x0  }
0xcb: {  	[sflag:s31] =	ssyncadd.s32 $0xFFFF8000  }
0xcc: {  	v1 =	vld.msk [tilespmem:$0x800], $0x3;
	_ =	sdelay $0x4  }
0xcd: {  	v1 =	vshll.u32 v1, $0xE  }
0xce: {  	v1 =	vperm.xlane v1, v0;
	_ =	sdelay $0x5  }
0xcf: {  	[tilespmem:s22], [sflag:$0x1] =	stream.indirect_vreg.gather [hbm4b:s1+s4], $0x4000, v1, vm0, $0x38;
	[tilespmem:$0x1E880] =	vst v63  }
0xd0: {  	_ =	swait.ge [sflag:s24], $0x8000  }
0xd1: {  	[sflag:s24] =	ssyncset.done $0x0  }
0xd2: {  	[sflag:s24] =	ssyncadd.s32 $0xFFFF8000  }
0xd3: {  	[hbm4b:s14+s4] =	stream.linear.scatter [tilespmem:s25], [sflag:$0x2], $0x8000, $0x38;
	[tilespmem:$0x1E880] =	vst v63  }
0xd4: {  	_ =	swait.ge [sflag:s24], $0x8000  }
0xd5: {  	[sflag:s24] =	ssyncset.done $0x0  }
0xd6: {  	[sflag:s24] =	ssyncadd.s32 $0xFFFF8000  }
0xd7: {  	[hbm4b:s15+s4] =	stream.linear.scatter [tilespmem:s22], [sflag:$0x2], $0x8000, $0x38;
	[tilespmem:$0x1E880] =	vst v63  }
0xd8: {  	_ =	swait.ge [sflag:s20], $0x4000  }
0xd9: {  	[sflag:s20] =	ssyncset.done $0x0  }
0xda: {  	[sflag:s20] =	ssyncadd.s32 $0xFFFFC000  }
0xdb: {  	[hbm4b:s16+s4] =	stream.linear.scatter [tilespmem:s26], [sflag:$0x5], $0x4000, $0x38;
	[tilespmem:$0x1E880] =	vst v63  }
0xdc: {  	_ =	swait.ge [sflag:s2], $0x4000  }
0xdd: {  	[sflag:s2] =	ssyncset.done $0x0  }
0xde: {  	[sflag:s2] =	ssyncadd.s32 $0xFFFFC000  }
0xdf: {  	_ =	swait.ge [sflag:s21], $0x2000  }
0xe0: {  	[sflag:s21] =	ssyncset.done $0x0  }
0xe1: {  	[sflag:s21] =	ssyncadd.s32 $0xFFFFE000  }
0xe2: {  	[hbm4b:s17+s4] =	stream.linear.scatter [tilespmem:s30], [sflag:$0x5], $0x2000, $0x38;
	[tilespmem:$0x1E880] =	vst v63  }
0xe3: {  	_ =	swait.ge [sflag:s2], $0x2000  }
0xe4: {  	[sflag:s2] =	ssyncset.done $0x0  }
0xe5: {  	[sflag:s2] =	ssyncadd.s32 $0xFFFFE000  }
0xe6: {  	_ =	swait.ge [sflag:s31], $0x8000  }
0xe7: {  	[sflag:s31] =	ssyncset.done $0x0  }
0xe8: {  	[sflag:s31] =	ssyncadd.s32 $0xFFFF8000  }
0xe9: {  	p0 =	sne.s32 s18, $0x1;
	_ =	swait.ge [sflag:s31], $0x8000  }
.Ltmp0:
0xea: {  	[sflag:s31] =	ssyncset.done $0x0;
	(pc) =	sbr.rel @p0 .LBB2_1-.Ltmp0, $4  }
0xeb: {  	[sflag:s31] =	ssyncadd.s32 $0xFFFF8000  }
0xec: {  	_ =	swait.ge [sflag:s31], $0x8000  }
0xed: {  	[sflag:s31] =	ssyncset.done $0x0  }
0xee: {  	s18 =	sadd.s32 $0xFFFFFFFF, s18;
	[sflag:s31] =	ssyncadd.s32 $0xFFFF8000  }
0xef: {  	_ =	sfence.sel $0x180000  }
0xf0: {  	[bflag:$0x0] =	sbarrier.arrive $0xFFFF  }
0xf1: {  	_ =	strace $0x90000047  }
0xf2: {  	s0 =	stileid.u32;
	[bflag:$0x2] =	sbarrier.arrive $0xFFFF  }
0xf3: {  	p0 =	sne.s32 s0, $0x0;
	s0 =	rddreg [dreg:$0x8]  }
0xf4: {  	s0 =	sadd.s32 @!p0 $0x100000, s0  }
0xf5: {  	[sflag:s0] =	ssyncadd.tile.s32 @!p0 $0x1;
	_ =	shalt  }
.Lfunc_end2:
_tile_overlayer_lowered:
.L_overlay_start_2:
0xf6: {  	(tag) =	ssettag $0x2  }
0xf7: {  	s0 =	rddreg [dreg:$0x0];
	s2 =	stileid.u32  }
0xf8: {  	s1 =	rddreg [dreg:$0x1];
	p0 =	sne.s32 s2, $0x0  }
0xf9: {  	s3 =	rddreg [dreg:$0x2];
	[bflag:$0x3] =	sbarrier.arrive $0xFFFF;
	s2 =	simm.s32 @!p0 $0x1C05  }
0xfa: {  	[timem:s3], [sflag:s2] =	dma.local @!p0 [hbm:s0], s1  }
0xfb: {  	s0 =	simm.s32 @!p0 $0x5  }
0xfc: {  	_ =	swait.ge @!p0 [sflag:s0], s1  }
0xfd: {  	s1 =	ssub.s32 @!p0 $0x0, s1;
	[sflag:s0] =	ssyncset.done @!p0 $0x0  }
0xfe: {  	[sflag:s0] =	ssyncadd.s32 @!p0 s1  }
0xff: {  	[bflag:$0x3] =	sbarrier.arrive $0xFFFF  }
0x100: {  	_ =	shalt  }

</sc_bundles>
